<compile_context>
chip_gen: v7x
topology: tpu7x:2x2x1
jax: 0.10.2.dev20260603
libtpu: 0.0.44.dev20260713+nightly
codegen_flags: <defaults>
</compile_context>

<pallas_src>
import functools

import jax
import jax.numpy as jnp
from jax import lax
from jax.experimental import pallas as pl
from jax.experimental.pallas import tpu as pltpu
from jax.experimental.pallas import tpu_sc as plsc

EPS = 1e-12

NUM_SC_CORES = 2
NUM_SC_SUBCORES = 16
NUM_WORKERS = NUM_SC_CORES * NUM_SC_SUBCORES
LANES = 16

CHUNK = 32
NBUF = 2
TC_TW = 512


def _sc_gather_sum(word_table, pos_table, ids, pids):
    n = ids.shape[0]
    d = word_table.shape[1]
    per_w = n // NUM_WORKERS
    assert per_w % (NBUF * CHUNK) == 0 and per_w % 8 == 0 and d % LANES == 0

    mesh = plsc.VectorSubcoreMesh(core_axis_name="c", subcore_axis_name="s")

    @functools.partial(
        pl.kernel,
        out_type=jax.ShapeDtypeStruct((n, d), jnp.float32),
        mesh=mesh,
        scratch_types=(
            [pltpu.VMEM((per_w,), jnp.int32)] * 2
            + [pltpu.VMEM((CHUNK, d), jnp.float32)] * (2 * NBUF)
            + [pltpu.SemaphoreType.DMA] * (3 * NBUF)
        ),
    )
    def sc_kernel(wt_hbm, pt_hbm, wid_hbm, pid_hbm, out_hbm,
                  widx_v, pidx_v, *rest):
        row_bufs = rest[:2 * NBUF]
        sems = rest[2 * NBUF:]
        bufs = tuple(
            (row_bufs[2 * b], row_bufs[2 * b + 1],
             sems[3 * b], sems[3 * b + 1], sems[3 * b + 2])
            for b in range(NBUF))

        wid = lax.axis_index("s") * NUM_SC_CORES + lax.axis_index("c")
        base = wid * per_w
        pltpu.sync_copy(wid_hbm.at[pl.ds(base, per_w)], widx_v)
        pltpu.sync_copy(pid_hbm.at[pl.ds(base, per_w)], pidx_v)

        def issue_gather(off, b):
            wb, pb, gsw, gsp, _ = bufs[b]
            pltpu.async_copy(wt_hbm.at[widx_v.at[pl.ds(off, CHUNK)]], wb, gsw)
            pltpu.async_copy(pt_hbm.at[pidx_v.at[pl.ds(off, CHUNK)]], pb, gsp)

        def wait_gather(b):
            wb, pb, gsw, gsp, _ = bufs[b]
            pltpu.make_async_copy(wt_hbm.at[widx_v.at[pl.ds(0, CHUNK)]],
                                  wb, gsw).wait()
            pltpu.make_async_copy(pt_hbm.at[pidx_v.at[pl.ds(0, CHUNK)]],
                                  pb, gsp).wait()

        def add_rows(b):
            wb, pb, _, _, _ = bufs[b]

            @pl.loop(0, CHUNK)
            def _(r):
                for c in range(d // LANES):
                    sl = pl.ds(c * LANES, LANES)
                    plsc.addupdate(wb.at[r, sl], pb[r, sl])

        def issue_store(off, b):
            wb, _, _, _, ss = bufs[b]
            pltpu.async_copy(wb, out_hbm.at[pl.ds(base + off, CHUNK)], ss)

        def wait_store(b):
            wb, _, _, _, ss = bufs[b]
            pltpu.make_async_copy(wb, out_hbm.at[pl.ds(base, CHUNK)],
                                  ss).wait()

        for b in range(NBUF):
            issue_gather(b * CHUNK, b)

        @pl.loop(0, per_w, step=NBUF * CHUNK)
        def _(off):
            for b in range(NBUF):
                wait_gather(b)
                add_rows(b)
                issue_store(off + b * CHUNK, b)

            @pl.when(off + NBUF * CHUNK < per_w)
            def _():
                for b in range(NBUF):
                    wait_store(b)
                    issue_gather(off + (NBUF + b) * CHUNK, b)

        for b in range(NBUF):
            wait_store(b)

    return sc_kernel(word_table, pos_table, ids, pids)


def _ln_body(x_ref, g_ref, b_ref, o_ref):
    x = x_ref[...]
    mean = jnp.mean(x, axis=-1, keepdims=True)
    msq = jnp.mean(x * x, axis=-1, keepdims=True)
    var = msq - mean * mean
    o_ref[...] = ((x - mean) * lax.rsqrt(var + EPS)) * g_ref[...] + b_ref[...]


def _ln_body_aliased(acc_ref, x_ref, g_ref, b_ref, o_ref):
    del acc_ref
    _ln_body(x_ref, g_ref, b_ref, o_ref)


def _tc_layernorm_into(acc, rows, gamma, beta, row0, bs):
    n, d = rows.shape
    block0 = row0 // TC_TW
    row_spec = pl.BlockSpec((TC_TW, d), lambda i: (i, 0))
    vec_spec = pl.BlockSpec((1, d), lambda i: (0, 0))
    in_specs = [row_spec, vec_spec, vec_spec]
    operands = [rows, gamma.reshape(1, d), beta.reshape(1, d)]
    body = _ln_body
    aliases = {}
    if acc is not None:
        in_specs.insert(0, pl.BlockSpec(memory_space=pl.ANY))
        operands.insert(0, acc)
        aliases = {0: 0}
        body = _ln_body_aliased
    return pl.pallas_call(
        body,
        grid=(n // TC_TW,),
        in_specs=in_specs,
        out_specs=pl.BlockSpec((TC_TW, d), lambda i: (block0 + i, 0)),
        out_shape=jax.ShapeDtypeStruct((bs, d), jnp.float32),
        input_output_aliases=aliases,
        compiler_params=pltpu.CompilerParams(
            dimension_semantics=("parallel",)),
    )(*operands)


NCHUNK = 1


def kernel(input_ids, position_ids, word_table, pos_table, gamma, beta):
    b, s = input_ids.shape
    d = word_table.shape[1]
    bs = b * s
    ids = input_ids.reshape(-1)
    pids = position_ids.reshape(-1)

    nc = bs // NCHUNK
    summed = [
        _sc_gather_sum(word_table, pos_table,
                       lax.slice(ids, (k * nc,), ((k + 1) * nc,)),
                       lax.slice(pids, (k * nc,), ((k + 1) * nc,)))
        for k in range(NCHUNK)
    ]
    acc = None
    for k, rows_k in enumerate(summed):
        acc = _tc_layernorm_into(acc, rows_k, gamma, beta, k * nc, bs)
    return acc.reshape(b, s, d)

# --- scband reference (transcript-rebuilt; emitter-appended) ---
"""Pipeline reference for scband-bert-embeddings-69312182223094 (READ-ONLY COPY).

The authoritative reference and input builder live on the scoring server;
editing this copy changes nothing except your own understanding.
"""

import jax, jax.numpy as jnp
import numpy as np

VOCAB = 100000
MAX_POS = 8192
HIDDEN = 768
B, S = 4, 8192
EPS = 1e-12

def setup_inputs(seed: int = 0) -> dict:
    key = jax.random.key(seed)
    k1, k2, k3, k4 = jax.random.split(key, 4)
    input_ids = jax.random.randint(k1, (B, S), 0, VOCAB, dtype=jnp.int64 if jax.config.jax_enable_x64 else jnp.int32).astype(jnp.int32)
    position_ids = jax.random.randint(k2, (B, S), 0, MAX_POS, dtype=jnp.int32)
    word_table = jax.random.normal(k3, (VOCAB, HIDDEN), dtype=jnp.float32) * 0.02
    pos_table = jax.random.normal(k4, (MAX_POS, HIDDEN), dtype=jnp.float32) * 0.02
    gamma = jnp.ones((HIDDEN,), dtype=jnp.float32)
    beta = jnp.zeros((HIDDEN,), dtype=jnp.float32)
    return {"input_ids": input_ids, "position_ids": position_ids,
            "word_table": word_table, "pos_table": pos_table,
            "gamma": gamma, "beta": beta}

def reference(input_ids, position_ids, word_table, pos_table, gamma, beta):
    # word + position embedding lookups (gathers)
    input_embeddings = jnp.take(word_table, input_ids, axis=0)
    position_embeddings = jnp.take(pos_table, position_ids, axis=0)
    embeddings = input_embeddings + position_embeddings
    # BertLayerNorm (eps=1e-12)
    mean = jnp.mean(embeddings, axis=-1, keepdims=True)
    var = jnp.mean(jnp.square(embeddings - mean), axis=-1, keepdims=True)
    normed = (embeddings - mean) / jnp.sqrt(var + EPS)
    out = normed * gamma + beta
    # dropout is identity in eval mode
    return out

if __name__ == "__main__":
    import jax
    _d = setup_inputs()
    print(jax.jit(kernel)(*tuple(_d.values())))

</pallas_src>

<mosaic_0001>
#map = affine_map<(d0, d1) -> (0, 0)>
#map1 = affine_map<(d0, d1) -> (0)>
module attributes {stable_mosaic.version = 14 : i64} {
  func.func @sc_kernel(%arg0: i32, %arg1: i32, %arg2: memref<100000x768xf32, #tpu.memory_space<hbm>>, %arg3: memref<8192x768xf32, #tpu.memory_space<hbm>>, %arg4: memref<32768xi32, #tpu.memory_space<hbm>>, %arg5: memref<32768xi32, #tpu.memory_space<hbm>>, %arg6: memref<32768x768xf32, #tpu.memory_space<hbm>>, %arg7: memref<1024xi32, #tpu.memory_space<vmem>>, %arg8: memref<1024xi32, #tpu.memory_space<vmem>>, %arg9: memref<32x768xf32, #tpu.memory_space<vmem>>, %arg10: memref<32x768xf32, #tpu.memory_space<vmem>>, %arg11: memref<32x768xf32, #tpu.memory_space<vmem>>, %arg12: memref<32x768xf32, #tpu.memory_space<vmem>>, %arg13: memref<!tpu.dma_semaphore, #tpu.memory_space<semaphore_mem>>, %arg14: memref<!tpu.dma_semaphore, #tpu.memory_space<semaphore_mem>>, %arg15: memref<!tpu.dma_semaphore, #tpu.memory_space<semaphore_mem>>, %arg16: memref<!tpu.dma_semaphore, #tpu.memory_space<semaphore_mem>>, %arg17: memref<!tpu.dma_semaphore, #tpu.memory_space<semaphore_mem>>, %arg18: memref<!tpu.dma_semaphore, #tpu.memory_space<semaphore_mem>>) attributes {dimension_semantics = [#tpu.dimension_semantics<core_parallel>, #tpu.dimension_semantics<subcore_parallel>], iteration_bounds = array<i64: 2, 16>, scalar_prefetch = 0 : i64, scratch_operands = 12 : i64, tpu.core_type = #tpu.core_type<sc_vector_subcore>, window_params = [{transform_indices = #map}, {transform_indices = #map}, {transform_indices = #map1}, {transform_indices = #map1}, {transform_indices = #map}]} {
    %mul3A = arith.constant 2 : i32
    %mul3A_0 = arith.muli %arg1, %mul3A : i32
    %add3A = arith.addi %mul3A_0, %arg0 : i32
    %mul3A_1 = arith.constant 1024 : i32
    %mul3A_2 = arith.muli %add3A, %mul3A_1 : i32
    "tpu.region"() ({
      %run_scoped3A = tpu.sem_alloc : memref<!tpu.dma_semaphore, #tpu.memory_space<semaphore_mem>>
      %dma_start3A_33 = tpu.memref_slice %arg4[%mul3A_2] : memref<32768xi32, #tpu.memory_space<hbm>> -> memref<1024xi32, #tpu.memory_space<hbm>>
      %dma_start3A_34 = tpu.memref_slice %arg4[%mul3A_2] : memref<32768xi32, #tpu.memory_space<hbm>> -> memref<1024xi32, #tpu.memory_space<hbm>>
      tpu.enqueue_dma source(%dma_start3A_34 : memref<1024xi32, #tpu.memory_space<hbm>>) target(%arg7 : memref<1024xi32, #tpu.memory_space<vmem>>) target_semaphore(%run_scoped3A : memref<!tpu.dma_semaphore, #tpu.memory_space<semaphore_mem>>)
      %dma_wait3A_35 = tpu.memref_slice %arg4[%mul3A_2] : memref<32768xi32, #tpu.memory_space<hbm>> -> memref<1024xi32, #tpu.memory_space<hbm>>
      %dma_wait3A_36 = tpu.memref_slice %arg4[%mul3A_2] : memref<32768xi32, #tpu.memory_space<hbm>> -> memref<1024xi32, #tpu.memory_space<hbm>>
      tpu.wait_dma2 semaphore(%run_scoped3A : memref<!tpu.dma_semaphore, #tpu.memory_space<semaphore_mem>>) src(%dma_wait3A_36 : memref<1024xi32, #tpu.memory_space<hbm>>) dst(%arg7 : memref<1024xi32, #tpu.memory_space<vmem>>)
      tpu.yield
    }) : () -> ()
    "tpu.region"() ({
      %run_scoped3A = tpu.sem_alloc : memref<!tpu.dma_semaphore, #tpu.memory_space<semaphore_mem>>
      %dma_start3A_33 = tpu.memref_slice %arg5[%mul3A_2] : memref<32768xi32, #tpu.memory_space<hbm>> -> memref<1024xi32, #tpu.memory_space<hbm>>
      %dma_start3A_34 = tpu.memref_slice %arg5[%mul3A_2] : memref<32768xi32, #tpu.memory_space<hbm>> -> memref<1024xi32, #tpu.memory_space<hbm>>
      tpu.enqueue_dma source(%dma_start3A_34 : memref<1024xi32, #tpu.memory_space<hbm>>) target(%arg8 : memref<1024xi32, #tpu.memory_space<vmem>>) target_semaphore(%run_scoped3A : memref<!tpu.dma_semaphore, #tpu.memory_space<semaphore_mem>>)
      %dma_wait3A_35 = tpu.memref_slice %arg5[%mul3A_2] : memref<32768xi32, #tpu.memory_space<hbm>> -> memref<1024xi32, #tpu.memory_space<hbm>>
      %dma_wait3A_36 = tpu.memref_slice %arg5[%mul3A_2] : memref<32768xi32, #tpu.memory_space<hbm>> -> memref<1024xi32, #tpu.memory_space<hbm>>
      tpu.wait_dma2 semaphore(%run_scoped3A : memref<!tpu.dma_semaphore, #tpu.memory_space<semaphore_mem>>) src(%dma_wait3A_36 : memref<1024xi32, #tpu.memory_space<hbm>>) dst(%arg8 : memref<1024xi32, #tpu.memory_space<vmem>>)
      tpu.yield
    }) : () -> ()
    %dma_start3A = arith.constant 0 : i32
    %dma_start3A_3 = tpu.memref_slice %arg7[%dma_start3A] : memref<1024xi32, #tpu.memory_space<vmem>> -> memref<32xi32, #tpu.memory_space<vmem>>
    %dma_start3A_4 = arith.constant 0 : i32
    %dma_start3A_5 = arith.constant 0 : i32
    %dma_start3A_6 = tpu.memref_slice %arg2[%dma_start3A_4, %dma_start3A_5] : memref<100000x768xf32, #tpu.memory_space<hbm>> -> memref<100000x768xf32, #tpu.memory_space<hbm>>
    tpu.enqueue_indirect_dma source(%dma_start3A_6 : memref<100000x768xf32, #tpu.memory_space<hbm>>) target(%arg9 : memref<32x768xf32, #tpu.memory_space<vmem>>) offsets(%dma_start3A_3 : memref<32xi32, #tpu.memory_space<vmem>>) semaphore(%arg13 : memref<!tpu.dma_semaphore, #tpu.memory_space<semaphore_mem>>)
    %dma_start3A_7 = arith.constant 0 : i32
    %dma_start3A_8 = tpu.memref_slice %arg8[%dma_start3A_7] : memref<1024xi32, #tpu.memory_space<vmem>> -> memref<32xi32, #tpu.memory_space<vmem>>
    %dma_start3A_9 = arith.constant 0 : i32
    %dma_start3A_10 = arith.constant 0 : i32
    %dma_start3A_11 = tpu.memref_slice %arg3[%dma_start3A_9, %dma_start3A_10] : memref<8192x768xf32, #tpu.memory_space<hbm>> -> memref<8192x768xf32, #tpu.memory_space<hbm>>
    tpu.enqueue_indirect_dma source(%dma_start3A_11 : memref<8192x768xf32, #tpu.memory_space<hbm>>) target(%arg10 : memref<32x768xf32, #tpu.memory_space<vmem>>) offsets(%dma_start3A_8 : memref<32xi32, #tpu.memory_space<vmem>>) semaphore(%arg14 : memref<!tpu.dma_semaphore, #tpu.memory_space<semaphore_mem>>)
    %dma_start3A_12 = arith.constant 32 : i32
    %dma_start3A_13 = tpu.memref_slice %arg7[%dma_start3A_12] : memref<1024xi32, #tpu.memory_space<vmem>> -> memref<32xi32, #tpu.memory_space<vmem>>
    %dma_start3A_14 = arith.constant 0 : i32
    %dma_start3A_15 = arith.constant 0 : i32
    %dma_start3A_16 = tpu.memref_slice %arg2[%dma_start3A_14, %dma_start3A_15] : memref<100000x768xf32, #tpu.memory_space<hbm>> -> memref<100000x768xf32, #tpu.memory_space<hbm>>
    tpu.enqueue_indirect_dma source(%dma_start3A_16 : memref<100000x768xf32, #tpu.memory_space<hbm>>) target(%arg11 : memref<32x768xf32, #tpu.memory_space<vmem>>) offsets(%dma_start3A_13 : memref<32xi32, #tpu.memory_space<vmem>>) semaphore(%arg16 : memref<!tpu.dma_semaphore, #tpu.memory_space<semaphore_mem>>)
    %dma_start3A_17 = arith.constant 32 : i32
    %dma_start3A_18 = tpu.memref_slice %arg8[%dma_start3A_17] : memref<1024xi32, #tpu.memory_space<vmem>> -> memref<32xi32, #tpu.memory_space<vmem>>
    %dma_start3A_19 = arith.constant 0 : i32
    %dma_start3A_20 = arith.constant 0 : i32
    %dma_start3A_21 = tpu.memref_slice %arg3[%dma_start3A_19, %dma_start3A_20] : memref<8192x768xf32, #tpu.memory_space<hbm>> -> memref<8192x768xf32, #tpu.memory_space<hbm>>
    tpu.enqueue_indirect_dma source(%dma_start3A_21 : memref<8192x768xf32, #tpu.memory_space<hbm>>) target(%arg12 : memref<32x768xf32, #tpu.memory_space<vmem>>) offsets(%dma_start3A_18 : memref<32xi32, #tpu.memory_space<vmem>>) semaphore(%arg17 : memref<!tpu.dma_semaphore, #tpu.memory_space<semaphore_mem>>)
    %scan3A = arith.constant 0 : i32
    %scan3A_22 = arith.constant 16 : i32
    %scan3A_23 = arith.addi %scan3A, %scan3A_22 : i32
    %scan3A_24 = arith.constant 1 : i32
    scf.for %scan3A_33 = %scan3A to %scan3A_23 step %scan3A_24  : i32 {
      %mul3A_34 = arith.constant 64 : i32
      %mul3A_35 = arith.muli %scan3A_33, %mul3A_34 : i32
      %add3A_36 = arith.constant 0 : i32
      %add3A_37 = arith.addi %add3A_36, %mul3A_35 : i32
      %dma_wait3A_38 = arith.constant 0 : i32
      %dma_wait3A_39 = tpu.memref_slice %arg7[%dma_wait3A_38] : memref<1024xi32, #tpu.memory_space<vmem>> -> memref<32xi32, #tpu.memory_space<vmem>>
      %dma_wait3A_40 = arith.constant 0 : i32
      %dma_wait3A_41 = arith.constant 0 : i32
      %dma_wait3A_42 = tpu.memref_slice %arg2[%dma_wait3A_40, %dma_wait3A_41] : memref<100000x768xf32, #tpu.memory_space<hbm>> -> memref<100000x768xf32, #tpu.memory_space<hbm>>
      tpu.wait_indirect_dma semaphore(%arg13 : memref<!tpu.dma_semaphore, #tpu.memory_space<semaphore_mem>>) src(%dma_wait3A_42 : memref<100000x768xf32, #tpu.memory_space<hbm>>) dst(%arg9 : memref<32x768xf32, #tpu.memory_space<vmem>>)
      %dma_wait3A_43 = arith.constant 0 : i32
      %dma_wait3A_44 = tpu.memref_slice %arg8[%dma_wait3A_43] : memref<1024xi32, #tpu.memory_space<vmem>> -> memref<32xi32, #tpu.memory_space<vmem>>
      %dma_wait3A_45 = arith.constant 0 : i32
      %dma_wait3A_46 = arith.constant 0 : i32
      %dma_wait3A_47 = tpu.memref_slice %arg3[%dma_wait3A_45, %dma_wait3A_46] : memref<8192x768xf32, #tpu.memory_space<hbm>> -> memref<8192x768xf32, #tpu.memory_space<hbm>>
      tpu.wait_indirect_dma semaphore(%arg14 : memref<!tpu.dma_semaphore, #tpu.memory_space<semaphore_mem>>) src(%dma_wait3A_47 : memref<8192x768xf32, #tpu.memory_space<hbm>>) dst(%arg10 : memref<32x768xf32, #tpu.memory_space<vmem>>)
      %scan3A_48 = arith.constant 0 : i32
      %scan3A_49 = arith.constant 32 : i32
      %scan3A_50 = arith.addi %scan3A_48, %scan3A_49 : i32
      %scan3A_51 = arith.constant 1 : i32
      scf.for %scan3A_86 = %scan3A_48 to %scan3A_50 step %scan3A_51  : i32 {
        %mul3A_87 = arith.constant 1 : i32
        %mul3A_88 = arith.muli %scan3A_86, %mul3A_87 : i32
        %add3A_89 = arith.constant 0 : i32
        %add3A_90 = arith.addi %add3A_89, %mul3A_88 : i32
        %get3A = arith.index_cast %add3A_90 : i32 to index
        %get3A_91 = arith.constant 0 : index
        %get3A_92 = tpu.vector_load %arg10[%get3A, %get3A_91] {strides = array<i32>} : memref<32x768xf32, #tpu.memory_space<vmem>>, vector<1x16xf32>,
        %get3A_93 = vector.shape_cast %get3A_92 : vector<1x16xf32> to vector<16xf32>
        %swap3A = arith.index_cast %add3A_90 : i32 to index
        %swap3A_94 = arith.constant 0 : index
        %swap3A_95 = tpu.vector_load %arg9[%swap3A, %swap3A_94] {strides = array<i32>} : memref<32x768xf32, #tpu.memory_space<vmem>>, vector<1x16xf32>,
        %swap3A_96 = vector.shape_cast %swap3A_95 : vector<1x16xf32> to vector<16xf32>
        %swap3A_97 = vector.shape_cast %get3A_93 : vector<16xf32> to vector<1x16xf32>
        tpu.vector_store %arg9[%swap3A, %swap3A_94], %swap3A_97 {add = true, strides = array<i32>} : memref<32x768xf32, #tpu.memory_space<vmem>>, vector<1x16xf32>,
        %get3A_98 = arith.index_cast %add3A_90 : i32 to index
        %get3A_99 = arith.constant 16 : index
        %get3A_100 = tpu.vector_load %arg10[%get3A_98, %get3A_99] {strides = array<i32>} : memref<32x768xf32, #tpu.memory_space<vmem>>, vector<1x16xf32>,
        %get3A_101 = vector.shape_cast %get3A_100 : vector<1x16xf32> to vector<16xf32>
        %swap3A_102 = arith.index_cast %add3A_90 : i32 to index
        %swap3A_103 = arith.constant 16 : index
        %swap3A_104 = tpu.vector_load %arg9[%swap3A_102, %swap3A_103] {strides = array<i32>} : memref<32x768xf32, #tpu.memory_space<vmem>>, vector<1x16xf32>,
        %swap3A_105 = vector.shape_cast %swap3A_104 : vector<1x16xf32> to vector<16xf32>
        %swap3A_106 = vector.shape_cast %get3A_101 : vector<16xf32> to vector<1x16xf32>
        tpu.vector_store %arg9[%swap3A_102, %swap3A_103], %swap3A_106 {add = true, strides = array<i32>} : memref<32x768xf32, #tpu.memory_space<vmem>>, vector<1x16xf32>,
        %get3A_107 = arith.index_cast %add3A_90 : i32 to index
        %get3A_108 = arith.constant 32 : index
        %get3A_109 = tpu.vector_load %arg10[%get3A_107, %get3A_108] {strides = array<i32>} : memref<32x768xf32, #tpu.memory_space<vmem>>, vector<1x16xf32>,
        %get3A_110 = vector.shape_cast %get3A_109 : vector<1x16xf32> to vector<16xf32>
        %swap3A_111 = arith.index_cast %add3A_90 : i32 to index
        %swap3A_112 = arith.constant 32 : index
        %swap3A_113 = tpu.vector_load %arg9[%swap3A_111, %swap3A_112] {strides = array<i32>} : memref<32x768xf32, #tpu.memory_space<vmem>>, vector<1x16xf32>,
        %swap3A_114 = vector.shape_cast %swap3A_113 : vector<1x16xf32> to vector<16xf32>
        %swap3A_115 = vector.shape_cast %get3A_110 : vector<16xf32> to vector<1x16xf32>
        tpu.vector_store %arg9[%swap3A_111, %swap3A_112], %swap3A_115 {add = true, strides = array<i32>} : memref<32x768xf32, #tpu.memory_space<vmem>>, vector<1x16xf32>,
        %get3A_116 = arith.index_cast %add3A_90 : i32 to index
        %get3A_117 = arith.constant 48 : index
        %get3A_118 = tpu.vector_load %arg10[%get3A_116, %get3A_117] {strides = array<i32>} : memref<32x768xf32, #tpu.memory_space<vmem>>, vector<1x16xf32>,
        %get3A_119 = vector.shape_cast %get3A_118 : vector<1x16xf32> to vector<16xf32>
        %swap3A_120 = arith.index_cast %add3A_90 : i32 to index
        %swap3A_121 = arith.constant 48 : index
        %swap3A_122 = tpu.vector_load %arg9[%swap3A_120, %swap3A_121] {strides = array<i32>} : memref<32x768xf32, #tpu.memory_space<vmem>>, vector<1x16xf32>,
        %swap3A_123 = vector.shape_cast %swap3A_122 : vector<1x16xf32> to vector<16xf32>
        %swap3A_124 = vector.shape_cast %get3A_119 : vector<16xf32> to vector<1x16xf32>
        tpu.vector_store %arg9[%swap3A_120, %swap3A_121], %swap3A_124 {add = true, strides = array<i32>} : memref<32x768xf32, #tpu.memory_space<vmem>>, vector<1x16xf32>,
        %get3A_125 = arith.index_cast %add3A_90 : i32 to index
        %get3A_126 = arith.constant 64 : index
        %get3A_127 = tpu.vector_load %arg10[%get3A_125, %get3A_126] {strides = array<i32>} : memref<32x768xf32, #tpu.memory_space<vmem>>, vector<1x16xf32>,
        %get3A_128 = vector.shape_cast %get3A_127 : vector<1x16xf32> to vector<16xf32>
        %swap3A_129 = arith.index_cast %add3A_90 : i32 to index
        %swap3A_130 = arith.constant 64 : index
        %swap3A_131 = tpu.vector_load %arg9[%swap3A_129, %swap3A_130] {strides = array<i32>} : memref<32x768xf32, #tpu.memory_space<vmem>>, vector<1x16xf32>,
        %swap3A_132 = vector.shape_cast %swap3A_131 : vector<1x16xf32> to vector<16xf32>
        %swap3A_133 = vector.shape_cast %get3A_128 : vector<16xf32> to vector<1x16xf32>
        tpu.vector_store %arg9[%swap3A_129, %swap3A_130], %swap3A_133 {add = true, strides = array<i32>} : memref<32x768xf32, #tpu.memory_space<vmem>>, vector<1x16xf32>,
        %get3A_134 = arith.index_cast %add3A_90 : i32 to index
        %get3A_135 = arith.constant 80 : index
        %get3A_136 = tpu.vector_load %arg10[%get3A_134, %get3A_135] {strides = array<i32>} : memref<32x768xf32, #tpu.memory_space<vmem>>, vector<1x16xf32>,
        %get3A_137 = vector.shape_cast %get3A_136 : vector<1x16xf32> to vector<16xf32>
        %swap3A_138 = arith.index_cast %add3A_90 : i32 to index
        %swap3A_139 = arith.constant 80 : index
        %swap3A_140 = tpu.vector_load %arg9[%swap3A_138, %swap3A_139] {strides = array<i32>} : memref<32x768xf32, #tpu.memory_space<vmem>>, vector<1x16xf32>,
        %swap3A_141 = vector.shape_cast %swap3A_140 : vector<1x16xf32> to vector<16xf32>
        %swap3A_142 = vector.shape_cast %get3A_137 : vector<16xf32> to vector<1x16xf32>
        tpu.vector_store %arg9[%swap3A_138, %swap3A_139], %swap3A_142 {add = true, strides = array<i32>} : memref<32x768xf32, #tpu.memory_space<vmem>>, vector<1x16xf32>,
        %get3A_143 = arith.index_cast %add3A_90 : i32 to index
        %get3A_144 = arith.constant 96 : index
        %get3A_145 = tpu.vector_load %arg10[%get3A_143, %get3A_144] {strides = array<i32>} : memref<32x768xf32, #tpu.memory_space<vmem>>, vector<1x16xf32>,
        %get3A_146 = vector.shape_cast %get3A_145 : vector<1x16xf32> to vector<16xf32>
        %swap3A_147 = arith.index_cast %add3A_90 : i32 to index
        %swap3A_148 = arith.constant 96 : index
        %swap3A_149 = tpu.vector_load %arg9[%swap3A_147, %swap3A_148] {strides = array<i32>} : memref<32x768xf32, #tpu.memory_space<vmem>>, vector<1x16xf32>,
        %swap3A_150 = vector.shape_cast %swap3A_149 : vector<1x16xf32> to vector<16xf32>
        %swap3A_151 = vector.shape_cast %get3A_146 : vector<16xf32> to vector<1x16xf32>
        tpu.vector_store %arg9[%swap3A_147, %swap3A_148], %swap3A_151 {add = true, strides = array<i32>} : memref<32x768xf32, #tpu.memory_space<vmem>>, vector<1x16xf32>,
        %get3A_152 = arith.index_cast %add3A_90 : i32 to index
        %get3A_153 = arith.constant 112 : index
        %get3A_154 = tpu.vector_load %arg10[%get3A_152, %get3A_153] {strides = array<i32>} : memref<32x768xf32, #tpu.memory_space<vmem>>, vector<1x16xf32>,
        %get3A_155 = vector.shape_cast %get3A_154 : vector<1x16xf32> to vector<16xf32>
        %swap3A_156 = arith.index_cast %add3A_90 : i32 to index
        %swap3A_157 = arith.constant 112 : index
        %swap3A_158 = tpu.vector_load %arg9[%swap3A_156, %swap3A_157] {strides = array<i32>} : memref<32x768xf32, #tpu.memory_space<vmem>>, vector<1x16xf32>,
        %swap3A_159 = vector.shape_cast %swap3A_158 : vector<1x16xf32> to vector<16xf32>
        %swap3A_160 = vector.shape_cast %get3A_155 : vector<16xf32> to vector<1x16xf32>
        tpu.vector_store %arg9[%swap3A_156, %swap3A_157], %swap3A_160 {add = true, strides = array<i32>} : memref<32x768xf32, #tpu.memory_space<vmem>>, vector<1x16xf32>,
        %get3A_161 = arith.index_cast %add3A_90 : i32 to index
        %get3A_162 = arith.constant 128 : index
        %get3A_163 = tpu.vector_load %arg10[%get3A_161, %get3A_162] {strides = array<i32>} : memref<32x768xf32, #tpu.memory_space<vmem>>, vector<1x16xf32>,
        %get3A_164 = vector.shape_cast %get3A_163 : vector<1x16xf32> to vector<16xf32>
        %swap3A_165 = arith.index_cast %add3A_90 : i32 to index
        %swap3A_166 = arith.constant 128 : index
        %swap3A_167 = tpu.vector_load %arg9[%swap3A_165, %swap3A_166] {strides = array<i32>} : memref<32x768xf32, #tpu.memory_space<vmem>>, vector<1x16xf32>,
        %swap3A_168 = vector.shape_cast %swap3A_167 : vector<1x16xf32> to vector<16xf32>
        %swap3A_169 = vector.shape_cast %get3A_164 : vector<16xf32> to vector<1x16xf32>
        tpu.vector_store %arg9[%swap3A_165, %swap3A_166], %swap3A_169 {add = true, strides = array<i32>} : memref<32x768xf32, #tpu.memory_space<vmem>>, vector<1x16xf32>,
        %get3A_170 = arith.index_cast %add3A_90 : i32 to index
        %get3A_171 = arith.constant 144 : index
        %get3A_172 = tpu.vector_load %arg10[%get3A_170, %get3A_171] {strides = array<i32>} : memref<32x768xf32, #tpu.memory_space<vmem>>, vector<1x16xf32>,
        %get3A_173 = vector.shape_cast %get3A_172 : vector<1x16xf32> to vector<16xf32>
        %swap3A_174 = arith.index_cast %add3A_90 : i32 to index
        %swap3A_175 = arith.constant 144 : index
        %swap3A_176 = tpu.vector_load %arg9[%swap3A_174, %swap3A_175] {strides = array<i32>} : memref<32x768xf32, #tpu.memory_space<vmem>>, vector<1x16xf32>,
        %swap3A_177 = vector.shape_cast %swap3A_176 : vector<1x16xf32> to vector<16xf32>
        %swap3A_178 = vector.shape_cast %get3A_173 : vector<16xf32> to vector<1x16xf32>
        tpu.vector_store %arg9[%swap3A_174, %swap3A_175], %swap3A_178 {add = true, strides = array<i32>} : memref<32x768xf32, #tpu.memory_space<vmem>>, vector<1x16xf32>,
        %get3A_179 = arith.index_cast %add3A_90 : i32 to index
        %get3A_180 = arith.constant 160 : index
        %get3A_181 = tpu.vector_load %arg10[%get3A_179, %get3A_180] {strides = array<i32>} : memref<32x768xf32, #tpu.memory_space<vmem>>, vector<1x16xf32>,
        %get3A_182 = vector.shape_cast %get3A_181 : vector<1x16xf32> to vector<16xf32>
        %swap3A_183 = arith.index_cast %add3A_90 : i32 to index
        %swap3A_184 = arith.constant 160 : index
        %swap3A_185 = tpu.vector_load %arg9[%swap3A_183, %swap3A_184] {strides = array<i32>} : memref<32x768xf32, #tpu.memory_space<vmem>>, vector<1x16xf32>,
        %swap3A_186 = vector.shape_cast %swap3A_185 : vector<1x16xf32> to vector<16xf32>
        %swap3A_187 = vector.shape_cast %get3A_182 : vector<16xf32> to vector<1x16xf32>
        tpu.vector_store %arg9[%swap3A_183, %swap3A_184], %swap3A_187 {add = true, strides = array<i32>} : memref<32x768xf32, #tpu.memory_space<vmem>>, vector<1x16xf32>,
        %get3A_188 = arith.index_cast %add3A_90 : i32 to index
        %get3A_189 = arith.constant 176 : index
        %get3A_190 = tpu.vector_load %arg10[%get3A_188, %get3A_189] {strides = array<i32>} : memref<32x768xf32, #tpu.memory_space<vmem>>, vector<1x16xf32>,
        %get3A_191 = vector.shape_cast %get3A_190 : vector<1x16xf32> to vector<16xf32>
        %swap3A_192 = arith.index_cast %add3A_90 : i32 to index
        %swap3A_193 = arith.constant 176 : index
        %swap3A_194 = tpu.vector_load %arg9[%swap3A_192, %swap3A_193] {strides = array<i32>} : memref<32x768xf32, #tpu.memory_space<vmem>>, vector<1x16xf32>,
        %swap3A_195 = vector.shape_cast %swap3A_194 : vector<1x16xf32> to vector<16xf32>
        %swap3A_196 = vector.shape_cast %get3A_191 : vector<16xf32> to vector<1x16xf32>
        tpu.vector_store %arg9[%swap3A_192, %swap3A_193], %swap3A_196 {add = true, strides = array<i32>} : memref<32x768xf32, #tpu.memory_space<vmem>>, vector<1x16xf32>,
        %get3A_197 = arith.index_cast %add3A_90 : i32 to index
        %get3A_198 = arith.constant 192 : index
        %get3A_199 = tpu.vector_load %arg10[%get3A_197, %get3A_198] {strides = array<i32>} : memref<32x768xf32, #tpu.memory_space<vmem>>, vector<1x16xf32>,
        %get3A_200 = vector.shape_cast %get3A_199 : vector<1x16xf32> to vector<16xf32>
        %swap3A_201 = arith.index_cast %add3A_90 : i32 to index
        %swap3A_202 = arith.constant 192 : index
        %swap3A_203 = tpu.vector_load %arg9[%swap3A_201, %swap3A_202] {strides = array<i32>} : memref<32x768xf32, #tpu.memory_space<vmem>>, vector<1x16xf32>,
        %swap3A_204 = vector.shape_cast %swap3A_203 : vector<1x16xf32> to vector<16xf32>
        %swap3A_205 = vector.shape_cast %get3A_200 : vector<16xf32> to vector<1x16xf32>
        tpu.vector_store %arg9[%swap3A_201, %swap3A_202], %swap3A_205 {add = true, strides = array<i32>} : memref<32x768xf32, #tpu.memory_space<vmem>>, vector<1x16xf32>,
        %get3A_206 = arith.index_cast %add3A_90 : i32 to index
        %get3A_207 = arith.constant 208 : index
        %get3A_208 = tpu.vector_load %arg10[%get3A_206, %get3A_207] {strides = array<i32>} : memref<32x768xf32, #tpu.memory_space<vmem>>, vector<1x16xf32>,
        %get3A_209 = vector.shape_cast %get3A_208 : vector<1x16xf32> to vector<16xf32>
        %swap3A_210 = arith.index_cast %add3A_90 : i32 to index
        %swap3A_211 = arith.constant 208 : index
        %swap3A_212 = tpu.vector_load %arg9[%swap3A_210, %swap3A_211] {strides = array<i32>} : memref<32x768xf32, #tpu.memory_space<vmem>>, vector<1x16xf32>,
        %swap3A_213 = vector.shape_cast %swap3A_212 : vector<1x16xf32> to vector<16xf32>
        %swap3A_214 = vector.shape_cast %get3A_209 : vector<16xf32> to vector<1x16xf32>
        tpu.vector_store %arg9[%swap3A_210, %swap3A_211], %swap3A_214 {add = true, strides = array<i32>} : memref<32x768xf32, #tpu.memory_space<vmem>>, vector<1x16xf32>,
        %get3A_215 = arith.index_cast %add3A_90 : i32 to index
        %get3A_216 = arith.constant 224 : index
        %get3A_217 = tpu.vector_load %arg10[%get3A_215, %get3A_216] {strides = array<i32>} : memref<32x768xf32, #tpu.memory_space<vmem>>, vector<1x16xf32>,
        %get3A_218 = vector.shape_cast %get3A_217 : vector<1x16xf32> to vector<16xf32>
        %swap3A_219 = arith.index_cast %add3A_90 : i32 to index
        %swap3A_220 = arith.constant 224 : index
        %swap3A_221 = tpu.vector_load %arg9[%swap3A_219, %swap3A_220] {strides = array<i32>} : memref<32x768xf32, #tpu.memory_space<vmem>>, vector<1x16xf32>,
        %swap3A_222 = vector.shape_cast %swap3A_221 : vector<1x16xf32> to vector<16xf32>
        %swap3A_223 = vector.shape_cast %get3A_218 : vector<16xf32> to vector<1x16xf32>
        tpu.vector_store %arg9[%swap3A_219, %swap3A_220], %swap3A_223 {add = true, strides = array<i32>} : memref<32x768xf32, #tpu.memory_space<vmem>>, vector<1x16xf32>,
        %get3A_224 = arith.index_cast %add3A_90 : i32 to index
        %get3A_225 = arith.constant 240 : index
        %get3A_226 = tpu.vector_load %arg10[%get3A_224, %get3A_225] {strides = array<i32>} : memref<32x768xf32, #tpu.memory_space<vmem>>, vector<1x16xf32>,
        %get3A_227 = vector.shape_cast %get3A_226 : vector<1x16xf32> to vector<16xf32>
        %swap3A_228 = arith.index_cast %add3A_90 : i32 to index
        %swap3A_229 = arith.constant 240 : index
        %swap3A_230 = tpu.vector_load %arg9[%swap3A_228, %swap3A_229] {strides = array<i32>} : memref<32x768xf32, #tpu.memory_space<vmem>>, vector<1x16xf32>,
        %swap3A_231 = vector.shape_cast %swap3A_230 : vector<1x16xf32> to vector<16xf32>
        %swap3A_232 = vector.shape_cast %get3A_227 : vector<16xf32> to vector<1x16xf32>
        tpu.vector_store %arg9[%swap3A_228, %swap3A_229], %swap3A_232 {add = true, strides = array<i32>} : memref<32x768xf32, #tpu.memory_space<vmem>>, vector<1x16xf32>,
        %get3A_233 = arith.index_cast %add3A_90 : i32 to index
        %get3A_234 = arith.constant 256 : index
        %get3A_235 = tpu.vector_load %arg10[%get3A_233, %get3A_234] {strides = array<i32>} : memref<32x768xf32, #tpu.memory_space<vmem>>, vector<1x16xf32>,
        %get3A_236 = vector.shape_cast %get3A_235 : vector<1x16xf32> to vector<16xf32>
        %swap3A_237 = arith.index_cast %add3A_90 : i32 to index
        %swap3A_238 = arith.constant 256 : index
        %swap3A_239 = tpu.vector_load %arg9[%swap3A_237, %swap3A_238] {strides = array<i32>} : memref<32x768xf32, #tpu.memory_space<vmem>>, vector<1x16xf32>,
        %swap3A_240 = vector.shape_cast %swap3A_239 : vector<1x16xf32> to vector<16xf32>
        %swap3A_241 = vector.shape_cast %get3A_236 : vector<16xf32> to vector<1x16xf32>
        tpu.vector_store %arg9[%swap3A_237, %swap3A_238], %swap3A_241 {add = true, strides = array<i32>} : memref<32x768xf32, #tpu.memory_space<vmem>>, vector<1x16xf32>,
        %get3A_242 = arith.index_cast %add3A_90 : i32 to index
        %get3A_243 = arith.constant 272 : index
        %get3A_244 = tpu.vector_load %arg10[%get3A_242, %get3A_243] {strides = array<i32>} : memref<32x768xf32, #tpu.memory_space<vmem>>, vector<1x16xf32>,
        %get3A_245 = vector.shape_cast %get3A_244 : vector<1x16xf32> to vector<16xf32>
        %swap3A_246 = arith.index_cast %add3A_90 : i32 to index
        %swap3A_247 = arith.constant 272 : index
        %swap3A_248 = tpu.vector_load %arg9[%swap3A_246, %swap3A_247] {strides = array<i32>} : memref<32x768xf32, #tpu.memory_space<vmem>>, vector<1x16xf32>,
        %swap3A_249 = vector.shape_cast %swap3A_248 : vector<1x16xf32> to vector<16xf32>
        %swap3A_250 = vector.shape_cast %get3A_245 : vector<16xf32> to vector<1x16xf32>
        tpu.vector_store %arg9[%swap3A_246, %swap3A_247], %swap3A_250 {add = true, strides = array<i32>} : memref<32x768xf32, #tpu.memory_space<vmem>>, vector<1x16xf32>,
        %get3A_251 = arith.index_cast %add3A_90 : i32 to index
        %get3A_252 = arith.constant 288 : index
        %get3A_253 = tpu.vector_load %arg10[%get3A_251, %get3A_252] {strides = array<i32>} : memref<32x768xf32, #tpu.memory_space<vmem>>, vector<1x16xf32>,
        %get3A_254 = vector.shape_cast %get3A_253 : vector<1x16xf32> to vector<16xf32>
        %swap3A_255 = arith.index_cast %add3A_90 : i32 to index
        %swap3A_256 = arith.constant 288 : index
        %swap3A_257 = tpu.vector_load %arg9[%swap3A_255, %swap3A_256] {strides = array<i32>} : memref<32x768xf32, #tpu.memory_space<vmem>>, vector<1x16xf32>,
        %swap3A_258 = vector.shape_cast %swap3A_257 : vector<1x16xf32> to vector<16xf32>
        %swap3A_259 = vector.shape_cast %get3A_254 : vector<16xf32> to vector<1x16xf32>
        tpu.vector_store %arg9[%swap3A_255, %swap3A_256], %swap3A_259 {add = true, strides = array<i32>} : memref<32x768xf32, #tpu.memory_space<vmem>>, vector<1x16xf32>,
        %get3A_260 = arith.index_cast %add3A_90 : i32 to index
        %get3A_261 = arith.constant 304 : index
        %get3A_262 = tpu.vector_load %arg10[%get3A_260, %get3A_261] {strides = array<i32>} : memref<32x768xf32, #tpu.memory_space<vmem>>, vector<1x16xf32>,
        %get3A_263 = vector.shape_cast %get3A_262 : vector<1x16xf32> to vector<16xf32>
        %swap3A_264 = arith.index_cast %add3A_90 : i32 to index
        %swap3A_265 = arith.constant 304 : index
        %swap3A_266 = tpu.vector_load %arg9[%swap3A_264, %swap3A_265] {strides = array<i32>} : memref<32x768xf32, #tpu.memory_space<vmem>>, vector<1x16xf32>,
        %swap3A_267 = vector.shape_cast %swap3A_266 : vector<1x16xf32> to vector<16xf32>
        %swap3A_268 = vector.shape_cast %get3A_263 : vector<16xf32> to vector<1x16xf32>
        tpu.vector_store %arg9[%swap3A_264, %swap3A_265], %swap3A_268 {add = true, strides = array<i32>} : memref<32x768xf32, #tpu.memory_space<vmem>>, vector<1x16xf32>,
        %get3A_269 = arith.index_cast %add3A_90 : i32 to index
        %get3A_270 = arith.constant 320 : index
        %get3A_271 = tpu.vector_load %arg10[%get3A_269, %get3A_270] {strides = array<i32>} : memref<32x768xf32, #tpu.memory_space<vmem>>, vector<1x16xf32>,
        %get3A_272 = vector.shape_cast %get3A_271 : vector<1x16xf32> to vector<16xf32>
        %swap3A_273 = arith.index_cast %add3A_90 : i32 to index
        %swap3A_274 = arith.constant 320 : index
        %swap3A_275 = tpu.vector_load %arg9[%swap3A_273, %swap3A_274] {strides = array<i32>} : memref<32x768xf32, #tpu.memory_space<vmem>>, vector<1x16xf32>,
        %swap3A_276 = vector.shape_cast %swap3A_275 : vector<1x16xf32> to vector<16xf32>
        %swap3A_277 = vector.shape_cast %get3A_272 : vector<16xf32> to vector<1x16xf32>
        tpu.vector_store %arg9[%swap3A_273, %swap3A_274], %swap3A_277 {add = true, strides = array<i32>} : memref<32x768xf32, #tpu.memory_space<vmem>>, vector<1x16xf32>,
        %get3A_278 = arith.index_cast %add3A_90 : i32 to index
        %get3A_279 = arith.constant 336 : index
        %get3A_280 = tpu.vector_load %arg10[%get3A_278, %get3A_279] {strides = array<i32>} : memref<32x768xf32, #tpu.memory_space<vmem>>, vector<1x16xf32>,
        %get3A_281 = vector.shape_cast %get3A_280 : vector<1x16xf32> to vector<16xf32>
        %swap3A_282 = arith.index_cast %add3A_90 : i32 to index
        %swap3A_283 = arith.constant 336 : index
        %swap3A_284 = tpu.vector_load %arg9[%swap3A_282, %swap3A_283] {strides = array<i32>} : memref<32x768xf32, #tpu.memory_space<vmem>>, vector<1x16xf32>,
        %swap3A_285 = vector.shape_cast %swap3A_284 : vector<1x16xf32> to vector<16xf32>
        %swap3A_286 = vector.shape_cast %get3A_281 : vector<16xf32> to vector<1x16xf32>
        tpu.vector_store %arg9[%swap3A_282, %swap3A_283], %swap3A_286 {add = true, strides = array<i32>} : memref<32x768xf32, #tpu.memory_space<vmem>>, vector<1x16xf32>,
        %get3A_287 = arith.index_cast %add3A_90 : i32 to index
        %get3A_288 = arith.constant 352 : index
        %get3A_289 = tpu.vector_load %arg10[%get3A_287, %get3A_288] {strides = array<i32>} : memref<32x768xf32, #tpu.memory_space<vmem>>, vector<1x16xf32>,
        %get3A_290 = vector.shape_cast %get3A_289 : vector<1x16xf32> to vector<16xf32>
        %swap3A_291 = arith.index_cast %add3A_90 : i32 to index
        %swap3A_292 = arith.constant 352 : index
        %swap3A_293 = tpu.vector_load %arg9[%swap3A_291, %swap3A_292] {strides = array<i32>} : memref<32x768xf32, #tpu.memory_space<vmem>>, vector<1x16xf32>,
        %swap3A_294 = vector.shape_cast %swap3A_293 : vector<1x16xf32> to vector<16xf32>
        %swap3A_295 = vector.shape_cast %get3A_290 : vector<16xf32> to vector<1x16xf32>
        tpu.vector_store %arg9[%swap3A_291, %swap3A_292], %swap3A_295 {add = true, strides = array<i32>} : memref<32x768xf32, #tpu.memory_space<vmem>>, vector<1x16xf32>,
        %get3A_296 = arith.index_cast %add3A_90 : i32 to index
        %get3A_297 = arith.constant 368 : index
        %get3A_298 = tpu.vector_load %arg10[%get3A_296, %get3A_297] {strides = array<i32>} : memref<32x768xf32, #tpu.memory_space<vmem>>, vector<1x16xf32>,
        %get3A_299 = vector.shape_cast %get3A_298 : vector<1x16xf32> to vector<16xf32>
        %swap3A_300 = arith.index_cast %add3A_90 : i32 to index
        %swap3A_301 = arith.constant 368 : index
        %swap3A_302 = tpu.vector_load %arg9[%swap3A_300, %swap3A_301] {strides = array<i32>} : memref<32x768xf32, #tpu.memory_space<vmem>>, vector<1x16xf32>,
        %swap3A_303 = vector.shape_cast %swap3A_302 : vector<1x16xf32> to vector<16xf32>
        %swap3A_304 = vector.shape_cast %get3A_299 : vector<16xf32> to vector<1x16xf32>
        tpu.vector_store %arg9[%swap3A_300, %swap3A_301], %swap3A_304 {add = true, strides = array<i32>} : memref<32x768xf32, #tpu.memory_space<vmem>>, vector<1x16xf32>,
        %get3A_305 = arith.index_cast %add3A_90 : i32 to index
        %get3A_306 = arith.constant 384 : index
        %get3A_307 = tpu.vector_load %arg10[%get3A_305, %get3A_306] {strides = array<i32>} : memref<32x768xf32, #tpu.memory_space<vmem>>, vector<1x16xf32>,
        %get3A_308 = vector.shape_cast %get3A_307 : vector<1x16xf32> to vector<16xf32>
        %swap3A_309 = arith.index_cast %add3A_90 : i32 to index
        %swap3A_310 = arith.constant 384 : index
        %swap3A_311 = tpu.vector_load %arg9[%swap3A_309, %swap3A_310] {strides = array<i32>} : memref<32x768xf32, #tpu.memory_space<vmem>>, vector<1x16xf32>,
        %swap3A_312 = vector.shape_cast %swap3A_311 : vector<1x16xf32> to vector<16xf32>
        %swap3A_313 = vector.shape_cast %get3A_308 : vector<16xf32> to vector<1x16xf32>
        tpu.vector_store %arg9[%swap3A_309, %swap3A_310], %swap3A_313 {add = true, strides = array<i32>} : memref<32x768xf32, #tpu.memory_space<vmem>>, vector<1x16xf32>,
        %get3A_314 = arith.index_cast %add3A_90 : i32 to index
        %get3A_315 = arith.constant 400 : index
        %get3A_316 = tpu.vector_load %arg10[%get3A_314, %get3A_315] {strides = array<i32>} : memref<32x768xf32, #tpu.memory_space<vmem>>, vector<1x16xf32>,
        %get3A_317 = vector.shape_cast %get3A_316 : vector<1x16xf32> to vector<16xf32>
        %swap3A_318 = arith.index_cast %add3A_90 : i32 to index
        %swap3A_319 = arith.constant 400 : index
        %swap3A_320 = tpu.vector_load %arg9[%swap3A_318, %swap3A_319] {strides = array<i32>} : memref<32x768xf32, #tpu.memory_space<vmem>>, vector<1x16xf32>,
        %swap3A_321 = vector.shape_cast %swap3A_320 : vector<1x16xf32> to vector<16xf32>
        %swap3A_322 = vector.shape_cast %get3A_317 : vector<16xf32> to vector<1x16xf32>
        tpu.vector_store %arg9[%swap3A_318, %swap3A_319], %swap3A_322 {add = true, strides = array<i32>} : memref<32x768xf32, #tpu.memory_space<vmem>>, vector<1x16xf32>,
        %get3A_323 = arith.index_cast %add3A_90 : i32 to index
        %get3A_324 = arith.constant 416 : index
        %get3A_325 = tpu.vector_load %arg10[%get3A_323, %get3A_324] {strides = array<i32>} : memref<32x768xf32, #tpu.memory_space<vmem>>, vector<1x16xf32>,
        %get3A_326 = vector.shape_cast %get3A_325 : vector<1x16xf32> to vector<16xf32>
        %swap3A_327 = arith.index_cast %add3A_90 : i32 to index
        %swap3A_328 = arith.constant 416 : index
        %swap3A_329 = tpu.vector_load %arg9[%swap3A_327, %swap3A_328] {strides = array<i32>} : memref<32x768xf32, #tpu.memory_space<vmem>>, vector<1x16xf32>,
        %swap3A_330 = vector.shape_cast %swap3A_329 : vector<1x16xf32> to vector<16xf32>
        %swap3A_331 = vector.shape_cast %get3A_326 : vector<16xf32> to vector<1x16xf32>
        tpu.vector_store %arg9[%swap3A_327, %swap3A_328], %swap3A_331 {add = true, strides = array<i32>} : memref<32x768xf32, #tpu.memory_space<vmem>>, vector<1x16xf32>,
        %get3A_332 = arith.index_cast %add3A_90 : i32 to index
        %get3A_333 = arith.constant 432 : index
        %get3A_334 = tpu.vector_load %arg10[%get3A_332, %get3A_333] {strides = array<i32>} : memref<32x768xf32, #tpu.memory_space<vmem>>, vector<1x16xf32>,
        %get3A_335 = vector.shape_cast %get3A_334 : vector<1x16xf32> to vector<16xf32>
        %swap3A_336 = arith.index_cast %add3A_90 : i32 to index
        %swap3A_337 = arith.constant 432 : index
        %swap3A_338 = tpu.vector_load %arg9[%swap3A_336, %swap3A_337] {strides = array<i32>} : memref<32x768xf32, #tpu.memory_space<vmem>>, vector<1x16xf32>,
        %swap3A_339 = vector.shape_cast %swap3A_338 : vector<1x16xf32> to vector<16xf32>
        %swap3A_340 = vector.shape_cast %get3A_335 : vector<16xf32> to vector<1x16xf32>
        tpu.vector_store %arg9[%swap3A_336, %swap3A_337], %swap3A_340 {add = true, strides = array<i32>} : memref<32x768xf32, #tpu.memory_space<vmem>>, vector<1x16xf32>,
        %get3A_341 = arith.index_cast %add3A_90 : i32 to index
        %get3A_342 = arith.constant 448 : index
        %get3A_343 = tpu.vector_load %arg10[%get3A_341, %get3A_342] {strides = array<i32>} : memref<32x768xf32, #tpu.memory_space<vmem>>, vector<1x16xf32>,
        %get3A_344 = vector.shape_cast %get3A_343 : vector<1x16xf32> to vector<16xf32>
        %swap3A_345 = arith.index_cast %add3A_90 : i32 to index
        %swap3A_346 = arith.constant 448 : index
        %swap3A_347 = tpu.vector_load %arg9[%swap3A_345, %swap3A_346] {strides = array<i32>} : memref<32x768xf32, #tpu.memory_space<vmem>>, vector<1x16xf32>,
        %swap3A_348 = vector.shape_cast %swap3A_347 : vector<1x16xf32> to vector<16xf32>
        %swap3A_349 = vector.shape_cast %get3A_344 : vector<16xf32> to vector<1x16xf32>
        tpu.vector_store %arg9[%swap3A_345, %swap3A_346], %swap3A_349 {add = true, strides = array<i32>} : memref<32x768xf32, #tpu.memory_space<vmem>>, vector<1x16xf32>,
        %get3A_350 = arith.index_cast %add3A_90 : i32 to index
        %get3A_351 = arith.constant 464 : index
        %get3A_352 = tpu.vector_load %arg10[%get3A_350, %get3A_351] {strides = array<i32>} : memref<32x768xf32, #tpu.memory_space<vmem>>, vector<1x16xf32>,
        %get3A_353 = vector.shape_cast %get3A_352 : vector<1x16xf32> to vector<16xf32>
        %swap3A_354 = arith.index_cast %add3A_90 : i32 to index
        %swap3A_355 = arith.constant 464 : index
        %swap3A_356 = tpu.vector_load %arg9[%swap3A_354, %swap3A_355] {strides = array<i32>} : memref<32x768xf32, #tpu.memory_space<vmem>>, vector<1x16xf32>,
        %swap3A_357 = vector.shape_cast %swap3A_356 : vector<1x16xf32> to vector<16xf32>
        %swap3A_358 = vector.shape_cast %get3A_353 : vector<16xf32> to vector<1x16xf32>
        tpu.vector_store %arg9[%swap3A_354, %swap3A_355], %swap3A_358 {add = true, strides = array<i32>} : memref<32x768xf32, #tpu.memory_space<vmem>>, vector<1x16xf32>,
        %get3A_359 = arith.index_cast %add3A_90 : i32 to index
        %get3A_360 = arith.constant 480 : index
        %get3A_361 = tpu.vector_load %arg10[%get3A_359, %get3A_360] {strides = array<i32>} : memref<32x768xf32, #tpu.memory_space<vmem>>, vector<1x16xf32>,
        %get3A_362 = vector.shape_cast %get3A_361 : vector<1x16xf32> to vector<16xf32>
        %swap3A_363 = arith.index_cast %add3A_90 : i32 to index
        %swap3A_364 = arith.constant 480 : index
        %swap3A_365 = tpu.vector_load %arg9[%swap3A_363, %swap3A_364] {strides = array<i32>} : memref<32x768xf32, #tpu.memory_space<vmem>>, vector<1x16xf32>,
        %swap3A_366 = vector.shape_cast %swap3A_365 : vector<1x16xf32> to vector<16xf32>
        %swap3A_367 = vector.shape_cast %get3A_362 : vector<16xf32> to vector<1x16xf32>
        tpu.vector_store %arg9[%swap3A_363, %swap3A_364], %swap3A_367 {add = true, strides = array<i32>} : memref<32x768xf32, #tpu.memory_space<vmem>>, vector<1x16xf32>,
        %get3A_368 = arith.index_cast %add3A_90 : i32 to index
        %get3A_369 = arith.constant 496 : index
        %get3A_370 = tpu.vector_load %arg10[%get3A_368, %get3A_369] {strides = array<i32>} : memref<32x768xf32, #tpu.memory_space<vmem>>, vector<1x16xf32>,
        %get3A_371 = vector.shape_cast %get3A_370 : vector<1x16xf32> to vector<16xf32>
        %swap3A_372 = arith.index_cast %add3A_90 : i32 to index
        %swap3A_373 = arith.constant 496 : index
        %swap3A_374 = tpu.vector_load %arg9[%swap3A_372, %swap3A_373] {strides = array<i32>} : memref<32x768xf32, #tpu.memory_space<vmem>>, vector<1x16xf32>,
        %swap3A_375 = vector.shape_cast %swap3A_374 : vector<1x16xf32> to vector<16xf32>
        %swap3A_376 = vector.shape_cast %get3A_371 : vector<16xf32> to vector<1x16xf32>
        tpu.vector_store %arg9[%swap3A_372, %swap3A_373], %swap3A_376 {add = true, strides = array<i32>} : memref<32x768xf32, #tpu.memory_space<vmem>>, vector<1x16xf32>,
        %get3A_377 = arith.index_cast %add3A_90 : i32 to index
        %get3A_378 = arith.constant 512 : index
        %get3A_379 = tpu.vector_load %arg10[%get3A_377, %get3A_378] {strides = array<i32>} : memref<32x768xf32, #tpu.memory_space<vmem>>, vector<1x16xf32>,
        %get3A_380 = vector.shape_cast %get3A_379 : vector<1x16xf32> to vector<16xf32>
        %swap3A_381 = arith.index_cast %add3A_90 : i32 to index
        %swap3A_382 = arith.constant 512 : index
        %swap3A_383 = tpu.vector_load %arg9[%swap3A_381, %swap3A_382] {strides = array<i32>} : memref<32x768xf32, #tpu.memory_space<vmem>>, vector<1x16xf32>,
        %swap3A_384 = vector.shape_cast %swap3A_383 : vector<1x16xf32> to vector<16xf32>
        %swap3A_385 = vector.shape_cast %get3A_380 : vector<16xf32> to vector<1x16xf32>
        tpu.vector_store %arg9[%swap3A_381, %swap3A_382], %swap3A_385 {add = true, strides = array<i32>} : memref<32x768xf32, #tpu.memory_space<vmem>>, vector<1x16xf32>,
        %get3A_386 = arith.index_cast %add3A_90 : i32 to index
        %get3A_387 = arith.constant 528 : index
        %get3A_388 = tpu.vector_load %arg10[%get3A_386, %get3A_387] {strides = array<i32>} : memref<32x768xf32, #tpu.memory_space<vmem>>, vector<1x16xf32>,
        %get3A_389 = vector.shape_cast %get3A_388 : vector<1x16xf32> to vector<16xf32>
        %swap3A_390 = arith.index_cast %add3A_90 : i32 to index
        %swap3A_391 = arith.constant 528 : index
        %swap3A_392 = tpu.vector_load %arg9[%swap3A_390, %swap3A_391] {strides = array<i32>} : memref<32x768xf32, #tpu.memory_space<vmem>>, vector<1x16xf32>,
        %swap3A_393 = vector.shape_cast %swap3A_392 : vector<1x16xf32> to vector<16xf32>
        %swap3A_394 = vector.shape_cast %get3A_389 : vector<16xf32> to vector<1x16xf32>
        tpu.vector_store %arg9[%swap3A_390, %swap3A_391], %swap3A_394 {add = true, strides = array<i32>} : memref<32x768xf32, #tpu.memory_space<vmem>>, vector<1x16xf32>,
        %get3A_395 = arith.index_cast %add3A_90 : i32 to index
        %get3A_396 = arith.constant 544 : index
        %get3A_397 = tpu.vector_load %arg10[%get3A_395, %get3A_396] {strides = array<i32>} : memref<32x768xf32, #tpu.memory_space<vmem>>, vector<1x16xf32>,
        %get3A_398 = vector.shape_cast %get3A_397 : vector<1x16xf32> to vector<16xf32>
        %swap3A_399 = arith.index_cast %add3A_90 : i32 to index
        %swap3A_400 = arith.constant 544 : index
        %swap3A_401 = tpu.vector_load %arg9[%swap3A_399, %swap3A_400] {strides = array<i32>} : memref<32x768xf32, #tpu.memory_space<vmem>>, vector<1x16xf32>,
        %swap3A_402 = vector.shape_cast %swap3A_401 : vector<1x16xf32> to vector<16xf32>
        %swap3A_403 = vector.shape_cast %get3A_398 : vector<16xf32> to vector<1x16xf32>
        tpu.vector_store %arg9[%swap3A_399, %swap3A_400], %swap3A_403 {add = true, strides = array<i32>} : memref<32x768xf32, #tpu.memory_space<vmem>>, vector<1x16xf32>,
        %get3A_404 = arith.index_cast %add3A_90 : i32 to index
        %get3A_405 = arith.constant 560 : index
        %get3A_406 = tpu.vector_load %arg10[%get3A_404, %get3A_405] {strides = array<i32>} : memref<32x768xf32, #tpu.memory_space<vmem>>, vector<1x16xf32>,
        %get3A_407 = vector.shape_cast %get3A_406 : vector<1x16xf32> to vector<16xf32>
        %swap3A_408 = arith.index_cast %add3A_90 : i32 to index
        %swap3A_409 = arith.constant 560 : index
        %swap3A_410 = tpu.vector_load %arg9[%swap3A_408, %swap3A_409] {strides = array<i32>} : memref<32x768xf32, #tpu.memory_space<vmem>>, vector<1x16xf32>,
        %swap3A_411 = vector.shape_cast %swap3A_410 : vector<1x16xf32> to vector<16xf32>
        %swap3A_412 = vector.shape_cast %get3A_407 : vector<16xf32> to vector<1x16xf32>
        tpu.vector_store %arg9[%swap3A_408, %swap3A_409], %swap3A_412 {add = true, strides = array<i32>} : memref<32x768xf32, #tpu.memory_space<vmem>>, vector<1x16xf32>,
        %get3A_413 = arith.index_cast %add3A_90 : i32 to index
        %get3A_414 = arith.constant 576 : index
        %get3A_415 = tpu.vector_load %arg10[%get3A_413, %get3A_414] {strides = array<i32>} : memref<32x768xf32, #tpu.memory_space<vmem>>, vector<1x16xf32>,
        %get3A_416 = vector.shape_cast %get3A_415 : vector<1x16xf32> to vector<16xf32>
        %swap3A_417 = arith.index_cast %add3A_90 : i32 to index
        %swap3A_418 = arith.constant 576 : index
        %swap3A_419 = tpu.vector_load %arg9[%swap3A_417, %swap3A_418] {strides = array<i32>} : memref<32x768xf32, #tpu.memory_space<vmem>>, vector<1x16xf32>,
        %swap3A_420 = vector.shape_cast %swap3A_419 : vector<1x16xf32> to vector<16xf32>
        %swap3A_421 = vector.shape_cast %get3A_416 : vector<16xf32> to vector<1x16xf32>
        tpu.vector_store %arg9[%swap3A_417, %swap3A_418], %swap3A_421 {add = true, strides = array<i32>} : memref<32x768xf32, #tpu.memory_space<vmem>>, vector<1x16xf32>,
        %get3A_422 = arith.index_cast %add3A_90 : i32 to index
        %get3A_423 = arith.constant 592 : index
        %get3A_424 = tpu.vector_load %arg10[%get3A_422, %get3A_423] {strides = array<i32>} : memref<32x768xf32, #tpu.memory_space<vmem>>, vector<1x16xf32>,
        %get3A_425 = vector.shape_cast %get3A_424 : vector<1x16xf32> to vector<16xf32>
        %swap3A_426 = arith.index_cast %add3A_90 : i32 to index
        %swap3A_427 = arith.constant 592 : index
        %swap3A_428 = tpu.vector_load %arg9[%swap3A_426, %swap3A_427] {strides = array<i32>} : memref<32x768xf32, #tpu.memory_space<vmem>>, vector<1x16xf32>,
        %swap3A_429 = vector.shape_cast %swap3A_428 : vector<1x16xf32> to vector<16xf32>
        %swap3A_430 = vector.shape_cast %get3A_425 : vector<16xf32> to vector<1x16xf32>
        tpu.vector_store %arg9[%swap3A_426, %swap3A_427], %swap3A_430 {add = true, strides = array<i32>} : memref<32x768xf32, #tpu.memory_space<vmem>>, vector<1x16xf32>,
        %get3A_431 = arith.index_cast %add3A_90 : i32 to index
        %get3A_432 = arith.constant 608 : index
        %get3A_433 = tpu.vector_load %arg10[%get3A_431, %get3A_432] {strides = array<i32>} : memref<32x768xf32, #tpu.memory_space<vmem>>, vector<1x16xf32>,
        %get3A_434 = vector.shape_cast %get3A_433 : vector<1x16xf32> to vector<16xf32>
        %swap3A_435 = arith.index_cast %add3A_90 : i32 to index
        %swap3A_436 = arith.constant 608 : index
        %swap3A_437 = tpu.vector_load %arg9[%swap3A_435, %swap3A_436] {strides = array<i32>} : memref<32x768xf32, #tpu.memory_space<vmem>>, vector<1x16xf32>,
        %swap3A_438 = vector.shape_cast %swap3A_437 : vector<1x16xf32> to vector<16xf32>
        %swap3A_439 = vector.shape_cast %get3A_434 : vector<16xf32> to vector<1x16xf32>
        tpu.vector_store %arg9[%swap3A_435, %swap3A_436], %swap3A_439 {add = true, strides = array<i32>} : memref<32x768xf32, #tpu.memory_space<vmem>>, vector<1x16xf32>,
        %get3A_440 = arith.index_cast %add3A_90 : i32 to index
        %get3A_441 = arith.constant 624 : index
        %get3A_442 = tpu.vector_load %arg10[%get3A_440, %get3A_441] {strides = array<i32>} : memref<32x768xf32, #tpu.memory_space<vmem>>, vector<1x16xf32>,
        %get3A_443 = vector.shape_cast %get3A_442 : vector<1x16xf32> to vector<16xf32>
        %swap3A_444 = arith.index_cast %add3A_90 : i32 to index
        %swap3A_445 = arith.constant 624 : index
        %swap3A_446 = tpu.vector_load %arg9[%swap3A_444, %swap3A_445] {strides = array<i32>} : memref<32x768xf32, #tpu.memory_space<vmem>>, vector<1x16xf32>,
        %swap3A_447 = vector.shape_cast %swap3A_446 : vector<1x16xf32> to vector<16xf32>
        %swap3A_448 = vector.shape_cast %get3A_443 : vector<16xf32> to vector<1x16xf32>
        tpu.vector_store %arg9[%swap3A_444, %swap3A_445], %swap3A_448 {add = true, strides = array<i32>} : memref<32x768xf32, #tpu.memory_space<vmem>>, vector<1x16xf32>,
        %get3A_449 = arith.index_cast %add3A_90 : i32 to index
        %get3A_450 = arith.constant 640 : index
        %get3A_451 = tpu.vector_load %arg10[%get3A_449, %get3A_450] {strides = array<i32>} : memref<32x768xf32, #tpu.memory_space<vmem>>, vector<1x16xf32>,
        %get3A_452 = vector.shape_cast %get3A_451 : vector<1x16xf32> to vector<16xf32>
        %swap3A_453 = arith.index_cast %add3A_90 : i32 to index
        %swap3A_454 = arith.constant 640 : index
        %swap3A_455 = tpu.vector_load %arg9[%swap3A_453, %swap3A_454] {strides = array<i32>} : memref<32x768xf32, #tpu.memory_space<vmem>>, vector<1x16xf32>,
        %swap3A_456 = vector.shape_cast %swap3A_455 : vector<1x16xf32> to vector<16xf32>
        %swap3A_457 = vector.shape_cast %get3A_452 : vector<16xf32> to vector<1x16xf32>
        tpu.vector_store %arg9[%swap3A_453, %swap3A_454], %swap3A_457 {add = true, strides = array<i32>} : memref<32x768xf32, #tpu.memory_space<vmem>>, vector<1x16xf32>,
        %get3A_458 = arith.index_cast %add3A_90 : i32 to index
        %get3A_459 = arith.constant 656 : index
        %get3A_460 = tpu.vector_load %arg10[%get3A_458, %get3A_459] {strides = array<i32>} : memref<32x768xf32, #tpu.memory_space<vmem>>, vector<1x16xf32>,
        %get3A_461 = vector.shape_cast %get3A_460 : vector<1x16xf32> to vector<16xf32>
        %swap3A_462 = arith.index_cast %add3A_90 : i32 to index
        %swap3A_463 = arith.constant 656 : index
        %swap3A_464 = tpu.vector_load %arg9[%swap3A_462, %swap3A_463] {strides = array<i32>} : memref<32x768xf32, #tpu.memory_space<vmem>>, vector<1x16xf32>,
        %swap3A_465 = vector.shape_cast %swap3A_464 : vector<1x16xf32> to vector<16xf32>
        %swap3A_466 = vector.shape_cast %get3A_461 : vector<16xf32> to vector<1x16xf32>
        tpu.vector_store %arg9[%swap3A_462, %swap3A_463], %swap3A_466 {add = true, strides = array<i32>} : memref<32x768xf32, #tpu.memory_space<vmem>>, vector<1x16xf32>,
        %get3A_467 = arith.index_cast %add3A_90 : i32 to index
        %get3A_468 = arith.constant 672 : index
        %get3A_469 = tpu.vector_load %arg10[%get3A_467, %get3A_468] {strides = array<i32>} : memref<32x768xf32, #tpu.memory_space<vmem>>, vector<1x16xf32>,
        %get3A_470 = vector.shape_cast %get3A_469 : vector<1x16xf32> to vector<16xf32>
        %swap3A_471 = arith.index_cast %add3A_90 : i32 to index
        %swap3A_472 = arith.constant 672 : index
        %swap3A_473 = tpu.vector_load %arg9[%swap3A_471, %swap3A_472] {strides = array<i32>} : memref<32x768xf32, #tpu.memory_space<vmem>>, vector<1x16xf32>,
        %swap3A_474 = vector.shape_cast %swap3A_473 : vector<1x16xf32> to vector<16xf32>
        %swap3A_475 = vector.shape_cast %get3A_470 : vector<16xf32> to vector<1x16xf32>
        tpu.vector_store %arg9[%swap3A_471, %swap3A_472], %swap3A_475 {add = true, strides = array<i32>} : memref<32x768xf32, #tpu.memory_space<vmem>>, vector<1x16xf32>,
        %get3A_476 = arith.index_cast %add3A_90 : i32 to index
        %get3A_477 = arith.constant 688 : index
        %get3A_478 = tpu.vector_load %arg10[%get3A_476, %get3A_477] {strides = array<i32>} : memref<32x768xf32, #tpu.memory_space<vmem>>, vector<1x16xf32>,
        %get3A_479 = vector.shape_cast %get3A_478 : vector<1x16xf32> to vector<16xf32>
        %swap3A_480 = arith.index_cast %add3A_90 : i32 to index
        %swap3A_481 = arith.constant 688 : index
        %swap3A_482 = tpu.vector_load %arg9[%swap3A_480, %swap3A_481] {strides = array<i32>} : memref<32x768xf32, #tpu.memory_space<vmem>>, vector<1x16xf32>,
        %swap3A_483 = vector.shape_cast %swap3A_482 : vector<1x16xf32> to vector<16xf32>
        %swap3A_484 = vector.shape_cast %get3A_479 : vector<16xf32> to vector<1x16xf32>
        tpu.vector_store %arg9[%swap3A_480, %swap3A_481], %swap3A_484 {add = true, strides = array<i32>} : memref<32x768xf32, #tpu.memory_space<vmem>>, vector<1x16xf32>,
        %get3A_485 = arith.index_cast %add3A_90 : i32 to index
        %get3A_486 = arith.constant 704 : index
        %get3A_487 = tpu.vector_load %arg10[%get3A_485, %get3A_486] {strides = array<i32>} : memref<32x768xf32, #tpu.memory_space<vmem>>, vector<1x16xf32>,
        %get3A_488 = vector.shape_cast %get3A_487 : vector<1x16xf32> to vector<16xf32>
        %swap3A_489 = arith.index_cast %add3A_90 : i32 to index
        %swap3A_490 = arith.constant 704 : index
        %swap3A_491 = tpu.vector_load %arg9[%swap3A_489, %swap3A_490] {strides = array<i32>} : memref<32x768xf32, #tpu.memory_space<vmem>>, vector<1x16xf32>,
        %swap3A_492 = vector.shape_cast %swap3A_491 : vector<1x16xf32> to vector<16xf32>
        %swap3A_493 = vector.shape_cast %get3A_488 : vector<16xf32> to vector<1x16xf32>
        tpu.vector_store %arg9[%swap3A_489, %swap3A_490], %swap3A_493 {add = true, strides = array<i32>} : memref<32x768xf32, #tpu.memory_space<vmem>>, vector<1x16xf32>,
        %get3A_494 = arith.index_cast %add3A_90 : i32 to index
        %get3A_495 = arith.constant 720 : index
        %get3A_496 = tpu.vector_load %arg10[%get3A_494, %get3A_495] {strides = array<i32>} : memref<32x768xf32, #tpu.memory_space<vmem>>, vector<1x16xf32>,
        %get3A_497 = vector.shape_cast %get3A_496 : vector<1x16xf32> to vector<16xf32>
        %swap3A_498 = arith.index_cast %add3A_90 : i32 to index
        %swap3A_499 = arith.constant 720 : index
        %swap3A_500 = tpu.vector_load %arg9[%swap3A_498, %swap3A_499] {strides = array<i32>} : memref<32x768xf32, #tpu.memory_space<vmem>>, vector<1x16xf32>,
        %swap3A_501 = vector.shape_cast %swap3A_500 : vector<1x16xf32> to vector<16xf32>
        %swap3A_502 = vector.shape_cast %get3A_497 : vector<16xf32> to vector<1x16xf32>
        tpu.vector_store %arg9[%swap3A_498, %swap3A_499], %swap3A_502 {add = true, strides = array<i32>} : memref<32x768xf32, #tpu.memory_space<vmem>>, vector<1x16xf32>,
        %get3A_503 = arith.index_cast %add3A_90 : i32 to index
        %get3A_504 = arith.constant 736 : index
        %get3A_505 = tpu.vector_load %arg10[%get3A_503, %get3A_504] {strides = array<i32>} : memref<32x768xf32, #tpu.memory_space<vmem>>, vector<1x16xf32>,
        %get3A_506 = vector.shape_cast %get3A_505 : vector<1x16xf32> to vector<16xf32>
        %swap3A_507 = arith.index_cast %add3A_90 : i32 to index
        %swap3A_508 = arith.constant 736 : index
        %swap3A_509 = tpu.vector_load %arg9[%swap3A_507, %swap3A_508] {strides = array<i32>} : memref<32x768xf32, #tpu.memory_space<vmem>>, vector<1x16xf32>,
        %swap3A_510 = vector.shape_cast %swap3A_509 : vector<1x16xf32> to vector<16xf32>
        %swap3A_511 = vector.shape_cast %get3A_506 : vector<16xf32> to vector<1x16xf32>
        tpu.vector_store %arg9[%swap3A_507, %swap3A_508], %swap3A_511 {add = true, strides = array<i32>} : memref<32x768xf32, #tpu.memory_space<vmem>>, vector<1x16xf32>,
        %get3A_512 = arith.index_cast %add3A_90 : i32 to index
        %get3A_513 = arith.constant 752 : index
        %get3A_514 = tpu.vector_load %arg10[%get3A_512, %get3A_513] {strides = array<i32>} : memref<32x768xf32, #tpu.memory_space<vmem>>, vector<1x16xf32>,
        %get3A_515 = vector.shape_cast %get3A_514 : vector<1x16xf32> to vector<16xf32>
        %swap3A_516 = arith.index_cast %add3A_90 : i32 to index
        %swap3A_517 = arith.constant 752 : index
        %swap3A_518 = tpu.vector_load %arg9[%swap3A_516, %swap3A_517] {strides = array<i32>} : memref<32x768xf32, #tpu.memory_space<vmem>>, vector<1x16xf32>,
        %swap3A_519 = vector.shape_cast %swap3A_518 : vector<1x16xf32> to vector<16xf32>
        %swap3A_520 = vector.shape_cast %get3A_515 : vector<16xf32> to vector<1x16xf32>
        tpu.vector_store %arg9[%swap3A_516, %swap3A_517], %swap3A_520 {add = true, strides = array<i32>} : memref<32x768xf32, #tpu.memory_space<vmem>>, vector<1x16xf32>,
      }
      %scan3A_52 = arith.constant 32 : i32
      %add3A_53 = arith.constant 0 : i32
      %add3A_54 = arith.addi %add3A_37, %add3A_53 : i32
      %add3A_55 = arith.addi %mul3A_2, %add3A_54 : i32
      %dma_start3A_56 = arith.constant 0 : i32
      %dma_start3A_57 = tpu.memref_slice %arg6[%add3A_55, %dma_start3A_56] : memref<32768x768xf32, #tpu.memory_space<hbm>> -> memref<32x768xf32, #tpu.memory_space<hbm>>
      %dma_start3A_58 = arith.constant 0 : i32
      %dma_start3A_59 = tpu.memref_slice %arg6[%add3A_55, %dma_start3A_58] : memref<32768x768xf32, #tpu.memory_space<hbm>> -> memref<32x768xf32, #tpu.memory_space<hbm>>
      tpu.enqueue_dma source(%arg9 : memref<32x768xf32, #tpu.memory_space<vmem>>) target(%dma_start3A_59 : memref<32x768xf32, #tpu.memory_space<hbm>>) target_semaphore(%arg15 : memref<!tpu.dma_semaphore, #tpu.memory_space<semaphore_mem>>)
      %dma_wait3A_60 = arith.constant 0 : i32
      %dma_wait3A_61 = tpu.memref_slice %arg7[%dma_wait3A_60] : memref<1024xi32, #tpu.memory_space<vmem>> -> memref<32xi32, #tpu.memory_space<vmem>>
      %dma_wait3A_62 = arith.constant 0 : i32
      %dma_wait3A_63 = arith.constant 0 : i32
      %dma_wait3A_64 = tpu.memref_slice %arg2[%dma_wait3A_62, %dma_wait3A_63] : memref<100000x768xf32, #tpu.memory_space<hbm>> -> memref<100000x768xf32, #tpu.memory_space<hbm>>
      tpu.wait_indirect_dma semaphore(%arg16 : memref<!tpu.dma_semaphore, #tpu.memory_space<semaphore_mem>>) src(%dma_wait3A_64 : memref<100000x768xf32, #tpu.memory_space<hbm>>) dst(%arg11 : memref<32x768xf32, #tpu.memory_space<vmem>>)
      %dma_wait3A_65 = arith.constant 0 : i32
      %dma_wait3A_66 = tpu.memref_slice %arg8[%dma_wait3A_65] : memref<1024xi32, #tpu.memory_space<vmem>> -> memref<32xi32, #tpu.memory_space<vmem>>
      %dma_wait3A_67 = arith.constant 0 : i32
      %dma_wait3A_68 = arith.constant 0 : i32
      %dma_wait3A_69 = tpu.memref_slice %arg3[%dma_wait3A_67, %dma_wait3A_68] : memref<8192x768xf32, #tpu.memory_space<hbm>> -> memref<8192x768xf32, #tpu.memory_space<hbm>>
      tpu.wait_indirect_dma semaphore(%arg17 : memref<!tpu.dma_semaphore, #tpu.memory_space<semaphore_mem>>) src(%dma_wait3A_69 : memref<8192x768xf32, #tpu.memory_space<hbm>>) dst(%arg12 : memref<32x768xf32, #tpu.memory_space<vmem>>)
      %scan3A_70 = arith.constant 0 : i32
      %scan3A_71 = arith.constant 32 : i32
      %scan3A_72 = arith.addi %scan3A_70, %scan3A_71 : i32
      %scan3A_73 = arith.constant 1 : i32
      scf.for %scan3A_86 = %scan3A_70 to %scan3A_72 step %scan3A_73  : i32 {
        %mul3A_87 = arith.constant 1 : i32
        %mul3A_88 = arith.muli %scan3A_86, %mul3A_87 : i32
        %add3A_89 = arith.constant 0 : i32
        %add3A_90 = arith.addi %add3A_89, %mul3A_88 : i32
        %get3A = arith.index_cast %add3A_90 : i32 to index
        %get3A_91 = arith.constant 0 : index
        %get3A_92 = tpu.vector_load %arg12[%get3A, %get3A_91] {strides = array<i32>} : memref<32x768xf32, #tpu.memory_space<vmem>>, vector<1x16xf32>,
        %get3A_93 = vector.shape_cast %get3A_92 : vector<1x16xf32> to vector<16xf32>
        %swap3A = arith.index_cast %add3A_90 : i32 to index
        %swap3A_94 = arith.constant 0 : index
        %swap3A_95 = tpu.vector_load %arg11[%swap3A, %swap3A_94] {strides = array<i32>} : memref<32x768xf32, #tpu.memory_space<vmem>>, vector<1x16xf32>,
        %swap3A_96 = vector.shape_cast %swap3A_95 : vector<1x16xf32> to vector<16xf32>
        %swap3A_97 = vector.shape_cast %get3A_93 : vector<16xf32> to vector<1x16xf32>
        tpu.vector_store %arg11[%swap3A, %swap3A_94], %swap3A_97 {add = true, strides = array<i32>} : memref<32x768xf32, #tpu.memory_space<vmem>>, vector<1x16xf32>,
        %get3A_98 = arith.index_cast %add3A_90 : i32 to index
        %get3A_99 = arith.constant 16 : index
        %get3A_100 = tpu.vector_load %arg12[%get3A_98, %get3A_99] {strides = array<i32>} : memref<32x768xf32, #tpu.memory_space<vmem>>, vector<1x16xf32>,
        %get3A_101 = vector.shape_cast %get3A_100 : vector<1x16xf32> to vector<16xf32>
        %swap3A_102 = arith.index_cast %add3A_90 : i32 to index
        %swap3A_103 = arith.constant 16 : index
        %swap3A_104 = tpu.vector_load %arg11[%swap3A_102, %swap3A_103] {strides = array<i32>} : memref<32x768xf32, #tpu.memory_space<vmem>>, vector<1x16xf32>,
        %swap3A_105 = vector.shape_cast %swap3A_104 : vector<1x16xf32> to vector<16xf32>
        %swap3A_106 = vector.shape_cast %get3A_101 : vector<16xf32> to vector<1x16xf32>
        tpu.vector_store %arg11[%swap3A_102, %swap3A_103], %swap3A_106 {add = true, strides = array<i32>} : memref<32x768xf32, #tpu.memory_space<vmem>>, vector<1x16xf32>,
        %get3A_107 = arith.index_cast %add3A_90 : i32 to index
        %get3A_108 = arith.constant 32 : index
        %get3A_109 = tpu.vector_load %arg12[%get3A_107, %get3A_108] {strides = array<i32>} : memref<32x768xf32, #tpu.memory_space<vmem>>, vector<1x16xf32>,
        %get3A_110 = vector.shape_cast %get3A_109 : vector<1x16xf32> to vector<16xf32>
        %swap3A_111 = arith.index_cast %add3A_90 : i32 to index
        %swap3A_112 = arith.constant 32 : index
        %swap3A_113 = tpu.vector_load %arg11[%swap3A_111, %swap3A_112] {strides = array<i32>} : memref<32x768xf32, #tpu.memory_space<vmem>>, vector<1x16xf32>,
        %swap3A_114 = vector.shape_cast %swap3A_113 : vector<1x16xf32> to vector<16xf32>
        %swap3A_115 = vector.shape_cast %get3A_110 : vector<16xf32> to vector<1x16xf32>
        tpu.vector_store %arg11[%swap3A_111, %swap3A_112], %swap3A_115 {add = true, strides = array<i32>} : memref<32x768xf32, #tpu.memory_space<vmem>>, vector<1x16xf32>,
        %get3A_116 = arith.index_cast %add3A_90 : i32 to index
        %get3A_117 = arith.constant 48 : index
        %get3A_118 = tpu.vector_load %arg12[%get3A_116, %get3A_117] {strides = array<i32>} : memref<32x768xf32, #tpu.memory_space<vmem>>, vector<1x16xf32>,
        %get3A_119 = vector.shape_cast %get3A_118 : vector<1x16xf32> to vector<16xf32>
        %swap3A_120 = arith.index_cast %add3A_90 : i32 to index
        %swap3A_121 = arith.constant 48 : index
        %swap3A_122 = tpu.vector_load %arg11[%swap3A_120, %swap3A_121] {strides = array<i32>} : memref<32x768xf32, #tpu.memory_space<vmem>>, vector<1x16xf32>,
        %swap3A_123 = vector.shape_cast %swap3A_122 : vector<1x16xf32> to vector<16xf32>
        %swap3A_124 = vector.shape_cast %get3A_119 : vector<16xf32> to vector<1x16xf32>
        tpu.vector_store %arg11[%swap3A_120, %swap3A_121], %swap3A_124 {add = true, strides = array<i32>} : memref<32x768xf32, #tpu.memory_space<vmem>>, vector<1x16xf32>,
        %get3A_125 = arith.index_cast %add3A_90 : i32 to index
        %get3A_126 = arith.constant 64 : index
        %get3A_127 = tpu.vector_load %arg12[%get3A_125, %get3A_126] {strides = array<i32>} : memref<32x768xf32, #tpu.memory_space<vmem>>, vector<1x16xf32>,
        %get3A_128 = vector.shape_cast %get3A_127 : vector<1x16xf32> to vector<16xf32>
        %swap3A_129 = arith.index_cast %add3A_90 : i32 to index
        %swap3A_130 = arith.constant 64 : index
        %swap3A_131 = tpu.vector_load %arg11[%swap3A_129, %swap3A_130] {strides = array<i32>} : memref<32x768xf32, #tpu.memory_space<vmem>>, vector<1x16xf32>,
        %swap3A_132 = vector.shape_cast %swap3A_131 : vector<1x16xf32> to vector<16xf32>
        %swap3A_133 = vector.shape_cast %get3A_128 : vector<16xf32> to vector<1x16xf32>
        tpu.vector_store %arg11[%swap3A_129, %swap3A_130], %swap3A_133 {add = true, strides = array<i32>} : memref<32x768xf32, #tpu.memory_space<vmem>>, vector<1x16xf32>,
        %get3A_134 = arith.index_cast %add3A_90 : i32 to index
        %get3A_135 = arith.constant 80 : index
        %get3A_136 = tpu.vector_load %arg12[%get3A_134, %get3A_135] {strides = array<i32>} : memref<32x768xf32, #tpu.memory_space<vmem>>, vector<1x16xf32>,
        %get3A_137 = vector.shape_cast %get3A_136 : vector<1x16xf32> to vector<16xf32>
        %swap3A_138 = arith.index_cast %add3A_90 : i32 to index
        %swap3A_139 = arith.constant 80 : index
        %swap3A_140 = tpu.vector_load %arg11[%swap3A_138, %swap3A_139] {strides = array<i32>} : memref<32x768xf32, #tpu.memory_space<vmem>>, vector<1x16xf32>,
        %swap3A_141 = vector.shape_cast %swap3A_140 : vector<1x16xf32> to vector<16xf32>
        %swap3A_142 = vector.shape_cast %get3A_137 : vector<16xf32> to vector<1x16xf32>
        tpu.vector_store %arg11[%swap3A_138, %swap3A_139], %swap3A_142 {add = true, strides = array<i32>} : memref<32x768xf32, #tpu.memory_space<vmem>>, vector<1x16xf32>,
        %get3A_143 = arith.index_cast %add3A_90 : i32 to index
        %get3A_144 = arith.constant 96 : index
        %get3A_145 = tpu.vector_load %arg12[%get3A_143, %get3A_144] {strides = array<i32>} : memref<32x768xf32, #tpu.memory_space<vmem>>, vector<1x16xf32>,
        %get3A_146 = vector.shape_cast %get3A_145 : vector<1x16xf32> to vector<16xf32>
        %swap3A_147 = arith.index_cast %add3A_90 : i32 to index
        %swap3A_148 = arith.constant 96 : index
        %swap3A_149 = tpu.vector_load %arg11[%swap3A_147, %swap3A_148] {strides = array<i32>} : memref<32x768xf32, #tpu.memory_space<vmem>>, vector<1x16xf32>,
        %swap3A_150 = vector.shape_cast %swap3A_149 : vector<1x16xf32> to vector<16xf32>
        %swap3A_151 = vector.shape_cast %get3A_146 : vector<16xf32> to vector<1x16xf32>
        tpu.vector_store %arg11[%swap3A_147, %swap3A_148], %swap3A_151 {add = true, strides = array<i32>} : memref<32x768xf32, #tpu.memory_space<vmem>>, vector<1x16xf32>,
        %get3A_152 = arith.index_cast %add3A_90 : i32 to index
        %get3A_153 = arith.constant 112 : index
        %get3A_154 = tpu.vector_load %arg12[%get3A_152, %get3A_153] {strides = array<i32>} : memref<32x768xf32, #tpu.memory_space<vmem>>, vector<1x16xf32>,
        %get3A_155 = vector.shape_cast %get3A_154 : vector<1x16xf32> to vector<16xf32>
        %swap3A_156 = arith.index_cast %add3A_90 : i32 to index
        %swap3A_157 = arith.constant 112 : index
        %swap3A_158 = tpu.vector_load %arg11[%swap3A_156, %swap3A_157] {strides = array<i32>} : memref<32x768xf32, #tpu.memory_space<vmem>>, vector<1x16xf32>,
        %swap3A_159 = vector.shape_cast %swap3A_158 : vector<1x16xf32> to vector<16xf32>
        %swap3A_160 = vector.shape_cast %get3A_155 : vector<16xf32> to vector<1x16xf32>
        tpu.vector_store %arg11[%swap3A_156, %swap3A_157], %swap3A_160 {add = true, strides = array<i32>} : memref<32x768xf32, #tpu.memory_space<vmem>>, vector<1x16xf32>,
        %get3A_161 = arith.index_cast %add3A_90 : i32 to index
        %get3A_162 = arith.constant 128 : index
        %get3A_163 = tpu.vector_load %arg12[%get3A_161, %get3A_162] {strides = array<i32>} : memref<32x768xf32, #tpu.memory_space<vmem>>, vector<1x16xf32>,
        %get3A_164 = vector.shape_cast %get3A_163 : vector<1x16xf32> to vector<16xf32>
        %swap3A_165 = arith.index_cast %add3A_90 : i32 to index
        %swap3A_166 = arith.constant 128 : index
        %swap3A_167 = tpu.vector_load %arg11[%swap3A_165, %swap3A_166] {strides = array<i32>} : memref<32x768xf32, #tpu.memory_space<vmem>>, vector<1x16xf32>,
        %swap3A_168 = vector.shape_cast %swap3A_167 : vector<1x16xf32> to vector<16xf32>
        %swap3A_169 = vector.shape_cast %get3A_164 : vector<16xf32> to vector<1x16xf32>
        tpu.vector_store %arg11[%swap3A_165, %swap3A_166], %swap3A_169 {add = true, strides = array<i32>} : memref<32x768xf32, #tpu.memory_space<vmem>>, vector<1x16xf32>,
        %get3A_170 = arith.index_cast %add3A_90 : i32 to index
        %get3A_171 = arith.constant 144 : index
        %get3A_172 = tpu.vector_load %arg12[%get3A_170, %get3A_171] {strides = array<i32>} : memref<32x768xf32, #tpu.memory_space<vmem>>, vector<1x16xf32>,
        %get3A_173 = vector.shape_cast %get3A_172 : vector<1x16xf32> to vector<16xf32>
        %swap3A_174 = arith.index_cast %add3A_90 : i32 to index
        %swap3A_175 = arith.constant 144 : index
        %swap3A_176 = tpu.vector_load %arg11[%swap3A_174, %swap3A_175] {strides = array<i32>} : memref<32x768xf32, #tpu.memory_space<vmem>>, vector<1x16xf32>,
        %swap3A_177 = vector.shape_cast %swap3A_176 : vector<1x16xf32> to vector<16xf32>
        %swap3A_178 = vector.shape_cast %get3A_173 : vector<16xf32> to vector<1x16xf32>
        tpu.vector_store %arg11[%swap3A_174, %swap3A_175], %swap3A_178 {add = true, strides = array<i32>} : memref<32x768xf32, #tpu.memory_space<vmem>>, vector<1x16xf32>,
        %get3A_179 = arith.index_cast %add3A_90 : i32 to index
        %get3A_180 = arith.constant 160 : index
        %get3A_181 = tpu.vector_load %arg12[%get3A_179, %get3A_180] {strides = array<i32>} : memref<32x768xf32, #tpu.memory_space<vmem>>, vector<1x16xf32>,
        %get3A_182 = vector.shape_cast %get3A_181 : vector<1x16xf32> to vector<16xf32>
        %swap3A_183 = arith.index_cast %add3A_90 : i32 to index
        %swap3A_184 = arith.constant 160 : index
        %swap3A_185 = tpu.vector_load %arg11[%swap3A_183, %swap3A_184] {strides = array<i32>} : memref<32x768xf32, #tpu.memory_space<vmem>>, vector<1x16xf32>,
        %swap3A_186 = vector.shape_cast %swap3A_185 : vector<1x16xf32> to vector<16xf32>
        %swap3A_187 = vector.shape_cast %get3A_182 : vector<16xf32> to vector<1x16xf32>
        tpu.vector_store %arg11[%swap3A_183, %swap3A_184], %swap3A_187 {add = true, strides = array<i32>} : memref<32x768xf32, #tpu.memory_space<vmem>>, vector<1x16xf32>,
        %get3A_188 = arith.index_cast %add3A_90 : i32 to index
        %get3A_189 = arith.constant 176 : index
        %get3A_190 = tpu.vector_load %arg12[%get3A_188, %get3A_189] {strides = array<i32>} : memref<32x768xf32, #tpu.memory_space<vmem>>, vector<1x16xf32>,
        %get3A_191 = vector.shape_cast %get3A_190 : vector<1x16xf32> to vector<16xf32>
        %swap3A_192 = arith.index_cast %add3A_90 : i32 to index
        %swap3A_193 = arith.constant 176 : index
        %swap3A_194 = tpu.vector_load %arg11[%swap3A_192, %swap3A_193] {strides = array<i32>} : memref<32x768xf32, #tpu.memory_space<vmem>>, vector<1x16xf32>,
        %swap3A_195 = vector.shape_cast %swap3A_194 : vector<1x16xf32> to vector<16xf32>
        %swap3A_196 = vector.shape_cast %get3A_191 : vector<16xf32> to vector<1x16xf32>
        tpu.vector_store %arg11[%swap3A_192, %swap3A_193], %swap3A_196 {add = true, strides = array<i32>} : memref<32x768xf32, #tpu.memory_space<vmem>>, vector<1x16xf32>,
        %get3A_197 = arith.index_cast %add3A_90 : i32 to index
        %get3A_198 = arith.constant 192 : index
        %get3A_199 = tpu.vector_load %arg12[%get3A_197, %get3A_198] {strides = array<i32>} : memref<32x768xf32, #tpu.memory_space<vmem>>, vector<1x16xf32>,
        %get3A_200 = vector.shape_cast %get3A_199 : vector<1x16xf32> to vector<16xf32>
        %swap3A_201 = arith.index_cast %add3A_90 : i32 to index
        %swap3A_202 = arith.constant 192 : index
        %swap3A_203 = tpu.vector_load %arg11[%swap3A_201, %swap3A_202] {strides = array<i32>} : memref<32x768xf32, #tpu.memory_space<vmem>>, vector<1x16xf32>,
        %swap3A_204 = vector.shape_cast %swap3A_203 : vector<1x16xf32> to vector<16xf32>
        %swap3A_205 = vector.shape_cast %get3A_200 : vector<16xf32> to vector<1x16xf32>
        tpu.vector_store %arg11[%swap3A_201, %swap3A_202], %swap3A_205 {add = true, strides = array<i32>} : memref<32x768xf32, #tpu.memory_space<vmem>>, vector<1x16xf32>,
        %get3A_206 = arith.index_cast %add3A_90 : i32 to index
        %get3A_207 = arith.constant 208 : index
        %get3A_208 = tpu.vector_load %arg12[%get3A_206, %get3A_207] {strides = array<i32>} : memref<32x768xf32, #tpu.memory_space<vmem>>, vector<1x16xf32>,
        %get3A_209 = vector.shape_cast %get3A_208 : vector<1x16xf32> to vector<16xf32>
        %swap3A_210 = arith.index_cast %add3A_90 : i32 to index
        %swap3A_211 = arith.constant 208 : index
        %swap3A_212 = tpu.vector_load %arg11[%swap3A_210, %swap3A_211] {strides = array<i32>} : memref<32x768xf32, #tpu.memory_space<vmem>>, vector<1x16xf32>,
        %swap3A_213 = vector.shape_cast %swap3A_212 : vector<1x16xf32> to vector<16xf32>
        %swap3A_214 = vector.shape_cast %get3A_209 : vector<16xf32> to vector<1x16xf32>
        tpu.vector_store %arg11[%swap3A_210, %swap3A_211], %swap3A_214 {add = true, strides = array<i32>} : memref<32x768xf32, #tpu.memory_space<vmem>>, vector<1x16xf32>,
        %get3A_215 = arith.index_cast %add3A_90 : i32 to index
        %get3A_216 = arith.constant 224 : index
        %get3A_217 = tpu.vector_load %arg12[%get3A_215, %get3A_216] {strides = array<i32>} : memref<32x768xf32, #tpu.memory_space<vmem>>, vector<1x16xf32>,
        %get3A_218 = vector.shape_cast %get3A_217 : vector<1x16xf32> to vector<16xf32>
        %swap3A_219 = arith.index_cast %add3A_90 : i32 to index
        %swap3A_220 = arith.constant 224 : index
        %swap3A_221 = tpu.vector_load %arg11[%swap3A_219, %swap3A_220] {strides = array<i32>} : memref<32x768xf32, #tpu.memory_space<vmem>>, vector<1x16xf32>,
        %swap3A_222 = vector.shape_cast %swap3A_221 : vector<1x16xf32> to vector<16xf32>
        %swap3A_223 = vector.shape_cast %get3A_218 : vector<16xf32> to vector<1x16xf32>
        tpu.vector_store %arg11[%swap3A_219, %swap3A_220], %swap3A_223 {add = true, strides = array<i32>} : memref<32x768xf32, #tpu.memory_space<vmem>>, vector<1x16xf32>,
        %get3A_224 = arith.index_cast %add3A_90 : i32 to index
        %get3A_225 = arith.constant 240 : index
        %get3A_226 = tpu.vector_load %arg12[%get3A_224, %get3A_225] {strides = array<i32>} : memref<32x768xf32, #tpu.memory_space<vmem>>, vector<1x16xf32>,
        %get3A_227 = vector.shape_cast %get3A_226 : vector<1x16xf32> to vector<16xf32>
        %swap3A_228 = arith.index_cast %add3A_90 : i32 to index
        %swap3A_229 = arith.constant 240 : index
        %swap3A_230 = tpu.vector_load %arg11[%swap3A_228, %swap3A_229] {strides = array<i32>} : memref<32x768xf32, #tpu.memory_space<vmem>>, vector<1x16xf32>,
        %swap3A_231 = vector.shape_cast %swap3A_230 : vector<1x16xf32> to vector<16xf32>
        %swap3A_232 = vector.shape_cast %get3A_227 : vector<16xf32> to vector<1x16xf32>
        tpu.vector_store %arg11[%swap3A_228, %swap3A_229], %swap3A_232 {add = true, strides = array<i32>} : memref<32x768xf32, #tpu.memory_space<vmem>>, vector<1x16xf32>,
        %get3A_233 = arith.index_cast %add3A_90 : i32 to index
        %get3A_234 = arith.constant 256 : index
        %get3A_235 = tpu.vector_load %arg12[%get3A_233, %get3A_234] {strides = array<i32>} : memref<32x768xf32, #tpu.memory_space<vmem>>, vector<1x16xf32>,
        %get3A_236 = vector.shape_cast %get3A_235 : vector<1x16xf32> to vector<16xf32>
        %swap3A_237 = arith.index_cast %add3A_90 : i32 to index
        %swap3A_238 = arith.constant 256 : index
        %swap3A_239 = tpu.vector_load %arg11[%swap3A_237, %swap3A_238] {strides = array<i32>} : memref<32x768xf32, #tpu.memory_space<vmem>>, vector<1x16xf32>,
        %swap3A_240 = vector.shape_cast %swap3A_239 : vector<1x16xf32> to vector<16xf32>
        %swap3A_241 = vector.shape_cast %get3A_236 : vector<16xf32> to vector<1x16xf32>
        tpu.vector_store %arg11[%swap3A_237, %swap3A_238], %swap3A_241 {add = true, strides = array<i32>} : memref<32x768xf32, #tpu.memory_space<vmem>>, vector<1x16xf32>,
        %get3A_242 = arith.index_cast %add3A_90 : i32 to index
        %get3A_243 = arith.constant 272 : index
        %get3A_244 = tpu.vector_load %arg12[%get3A_242, %get3A_243] {strides = array<i32>} : memref<32x768xf32, #tpu.memory_space<vmem>>, vector<1x16xf32>,
        %get3A_245 = vector.shape_cast %get3A_244 : vector<1x16xf32> to vector<16xf32>
        %swap3A_246 = arith.index_cast %add3A_90 : i32 to index
        %swap3A_247 = arith.constant 272 : index
        %swap3A_248 = tpu.vector_load %arg11[%swap3A_246, %swap3A_247] {strides = array<i32>} : memref<32x768xf32, #tpu.memory_space<vmem>>, vector<1x16xf32>,
        %swap3A_249 = vector.shape_cast %swap3A_248 : vector<1x16xf32> to vector<16xf32>
        %swap3A_250 = vector.shape_cast %get3A_245 : vector<16xf32> to vector<1x16xf32>
        tpu.vector_store %arg11[%swap3A_246, %swap3A_247], %swap3A_250 {add = true, strides = array<i32>} : memref<32x768xf32, #tpu.memory_space<vmem>>, vector<1x16xf32>,
        %get3A_251 = arith.index_cast %add3A_90 : i32 to index
        %get3A_252 = arith.constant 288 : index
        %get3A_253 = tpu.vector_load %arg12[%get3A_251, %get3A_252] {strides = array<i32>} : memref<32x768xf32, #tpu.memory_space<vmem>>, vector<1x16xf32>,
        %get3A_254 = vector.shape_cast %get3A_253 : vector<1x16xf32> to vector<16xf32>
        %swap3A_255 = arith.index_cast %add3A_90 : i32 to index
        %swap3A_256 = arith.constant 288 : index
        %swap3A_257 = tpu.vector_load %arg11[%swap3A_255, %swap3A_256] {strides = array<i32>} : memref<32x768xf32, #tpu.memory_space<vmem>>, vector<1x16xf32>,
        %swap3A_258 = vector.shape_cast %swap3A_257 : vector<1x16xf32> to vector<16xf32>
        %swap3A_259 = vector.shape_cast %get3A_254 : vector<16xf32> to vector<1x16xf32>
        tpu.vector_store %arg11[%swap3A_255, %swap3A_256], %swap3A_259 {add = true, strides = array<i32>} : memref<32x768xf32, #tpu.memory_space<vmem>>, vector<1x16xf32>,
        %get3A_260 = arith.index_cast %add3A_90 : i32 to index
        %get3A_261 = arith.constant 304 : index
        %get3A_262 = tpu.vector_load %arg12[%get3A_260, %get3A_261] {strides = array<i32>} : memref<32x768xf32, #tpu.memory_space<vmem>>, vector<1x16xf32>,
        %get3A_263 = vector.shape_cast %get3A_262 : vector<1x16xf32> to vector<16xf32>
        %swap3A_264 = arith.index_cast %add3A_90 : i32 to index
        %swap3A_265 = arith.constant 304 : index
        %swap3A_266 = tpu.vector_load %arg11[%swap3A_264, %swap3A_265] {strides = array<i32>} : memref<32x768xf32, #tpu.memory_space<vmem>>, vector<1x16xf32>,
        %swap3A_267 = vector.shape_cast %swap3A_266 : vector<1x16xf32> to vector<16xf32>
        %swap3A_268 = vector.shape_cast %get3A_263 : vector<16xf32> to vector<1x16xf32>
        tpu.vector_store %arg11[%swap3A_264, %swap3A_265], %swap3A_268 {add = true, strides = array<i32>} : memref<32x768xf32, #tpu.memory_space<vmem>>, vector<1x16xf32>,
        %get3A_269 = arith.index_cast %add3A_90 : i32 to index
        %get3A_270 = arith.constant 320 : index
        %get3A_271 = tpu.vector_load %arg12[%get3A_269, %get3A_270] {strides = array<i32>} : memref<32x768xf32, #tpu.memory_space<vmem>>, vector<1x16xf32>,
        %get3A_272 = vector.shape_cast %get3A_271 : vector<1x16xf32> to vector<16xf32>
        %swap3A_273 = arith.index_cast %add3A_90 : i32 to index
        %swap3A_274 = arith.constant 320 : index
        %swap3A_275 = tpu.vector_load %arg11[%swap3A_273, %swap3A_274] {strides = array<i32>} : memref<32x768xf32, #tpu.memory_space<vmem>>, vector<1x16xf32>,
        %swap3A_276 = vector.shape_cast %swap3A_275 : vector<1x16xf32> to vector<16xf32>
        %swap3A_277 = vector.shape_cast %get3A_272 : vector<16xf32> to vector<1x16xf32>
        tpu.vector_store %arg11[%swap3A_273, %swap3A_274], %swap3A_277 {add = true, strides = array<i32>} : memref<32x768xf32, #tpu.memory_space<vmem>>, vector<1x16xf32>,
        %get3A_278 = arith.index_cast %add3A_90 : i32 to index
        %get3A_279 = arith.constant 336 : index
        %get3A_280 = tpu.vector_load %arg12[%get3A_278, %get3A_279] {strides = array<i32>} : memref<32x768xf32, #tpu.memory_space<vmem>>, vector<1x16xf32>,
        %get3A_281 = vector.shape_cast %get3A_280 : vector<1x16xf32> to vector<16xf32>
        %swap3A_282 = arith.index_cast %add3A_90 : i32 to index
        %swap3A_283 = arith.constant 336 : index
        %swap3A_284 = tpu.vector_load %arg11[%swap3A_282, %swap3A_283] {strides = array<i32>} : memref<32x768xf32, #tpu.memory_space<vmem>>, vector<1x16xf32>,
        %swap3A_285 = vector.shape_cast %swap3A_284 : vector<1x16xf32> to vector<16xf32>
        %swap3A_286 = vector.shape_cast %get3A_281 : vector<16xf32> to vector<1x16xf32>
        tpu.vector_store %arg11[%swap3A_282, %swap3A_283], %swap3A_286 {add = true, strides = array<i32>} : memref<32x768xf32, #tpu.memory_space<vmem>>, vector<1x16xf32>,
        %get3A_287 = arith.index_cast %add3A_90 : i32 to index
        %get3A_288 = arith.constant 352 : index
        %get3A_289 = tpu.vector_load %arg12[%get3A_287, %get3A_288] {strides = array<i32>} : memref<32x768xf32, #tpu.memory_space<vmem>>, vector<1x16xf32>,
        %get3A_290 = vector.shape_cast %get3A_289 : vector<1x16xf32> to vector<16xf32>
        %swap3A_291 = arith.index_cast %add3A_90 : i32 to index
        %swap3A_292 = arith.constant 352 : index
        %swap3A_293 = tpu.vector_load %arg11[%swap3A_291, %swap3A_292] {strides = array<i32>} : memref<32x768xf32, #tpu.memory_space<vmem>>, vector<1x16xf32>,
        %swap3A_294 = vector.shape_cast %swap3A_293 : vector<1x16xf32> to vector<16xf32>
        %swap3A_295 = vector.shape_cast %get3A_290 : vector<16xf32> to vector<1x16xf32>
        tpu.vector_store %arg11[%swap3A_291, %swap3A_292], %swap3A_295 {add = true, strides = array<i32>} : memref<32x768xf32, #tpu.memory_space<vmem>>, vector<1x16xf32>,
        %get3A_296 = arith.index_cast %add3A_90 : i32 to index
        %get3A_297 = arith.constant 368 : index
        %get3A_298 = tpu.vector_load %arg12[%get3A_296, %get3A_297] {strides = array<i32>} : memref<32x768xf32, #tpu.memory_space<vmem>>, vector<1x16xf32>,
        %get3A_299 = vector.shape_cast %get3A_298 : vector<1x16xf32> to vector<16xf32>
        %swap3A_300 = arith.index_cast %add3A_90 : i32 to index
        %swap3A_301 = arith.constant 368 : index
        %swap3A_302 = tpu.vector_load %arg11[%swap3A_300, %swap3A_301] {strides = array<i32>} : memref<32x768xf32, #tpu.memory_space<vmem>>, vector<1x16xf32>,
        %swap3A_303 = vector.shape_cast %swap3A_302 : vector<1x16xf32> to vector<16xf32>
        %swap3A_304 = vector.shape_cast %get3A_299 : vector<16xf32> to vector<1x16xf32>
        tpu.vector_store %arg11[%swap3A_300, %swap3A_301], %swap3A_304 {add = true, strides = array<i32>} : memref<32x768xf32, #tpu.memory_space<vmem>>, vector<1x16xf32>,
        %get3A_305 = arith.index_cast %add3A_90 : i32 to index
        %get3A_306 = arith.constant 384 : index
        %get3A_307 = tpu.vector_load %arg12[%get3A_305, %get3A_306] {strides = array<i32>} : memref<32x768xf32, #tpu.memory_space<vmem>>, vector<1x16xf32>,
        %get3A_308 = vector.shape_cast %get3A_307 : vector<1x16xf32> to vector<16xf32>
        %swap3A_309 = arith.index_cast %add3A_90 : i32 to index
        %swap3A_310 = arith.constant 384 : index
        %swap3A_311 = tpu.vector_load %arg11[%swap3A_309, %swap3A_310] {strides = array<i32>} : memref<32x768xf32, #tpu.memory_space<vmem>>, vector<1x16xf32>,
        %swap3A_312 = vector.shape_cast %swap3A_311 : vector<1x16xf32> to vector<16xf32>
        %swap3A_313 = vector.shape_cast %get3A_308 : vector<16xf32> to vector<1x16xf32>
        tpu.vector_store %arg11[%swap3A_309, %swap3A_310], %swap3A_313 {add = true, strides = array<i32>} : memref<32x768xf32, #tpu.memory_space<vmem>>, vector<1x16xf32>,
        %get3A_314 = arith.index_cast %add3A_90 : i32 to index
        %get3A_315 = arith.constant 400 : index
        %get3A_316 = tpu.vector_load %arg12[%get3A_314, %get3A_315] {strides = array<i32>} : memref<32x768xf32, #tpu.memory_space<vmem>>, vector<1x16xf32>,
        %get3A_317 = vector.shape_cast %get3A_316 : vector<1x16xf32> to vector<16xf32>
        %swap3A_318 = arith.index_cast %add3A_90 : i32 to index
        %swap3A_319 = arith.constant 400 : index
        %swap3A_320 = tpu.vector_load %arg11[%swap3A_318, %swap3A_319] {strides = array<i32>} : memref<32x768xf32, #tpu.memory_space<vmem>>, vector<1x16xf32>,
        %swap3A_321 = vector.shape_cast %swap3A_320 : vector<1x16xf32> to vector<16xf32>
        %swap3A_322 = vector.shape_cast %get3A_317 : vector<16xf32> to vector<1x16xf32>
        tpu.vector_store %arg11[%swap3A_318, %swap3A_319], %swap3A_322 {add = true, strides = array<i32>} : memref<32x768xf32, #tpu.memory_space<vmem>>, vector<1x16xf32>,
        %get3A_323 = arith.index_cast %add3A_90 : i32 to index
        %get3A_324 = arith.constant 416 : index
        %get3A_325 = tpu.vector_load %arg12[%get3A_323, %get3A_324] {strides = array<i32>} : memref<32x768xf32, #tpu.memory_space<vmem>>, vector<1x16xf32>,
        %get3A_326 = vector.shape_cast %get3A_325 : vector<1x16xf32> to vector<16xf32>
        %swap3A_327 = arith.index_cast %add3A_90 : i32 to index
        %swap3A_328 = arith.constant 416 : index
        %swap3A_329 = tpu.vector_load %arg11[%swap3A_327, %swap3A_328] {strides = array<i32>} : memref<32x768xf32, #tpu.memory_space<vmem>>, vector<1x16xf32>,
        %swap3A_330 = vector.shape_cast %swap3A_329 : vector<1x16xf32> to vector<16xf32>
        %swap3A_331 = vector.shape_cast %get3A_326 : vector<16xf32> to vector<1x16xf32>
        tpu.vector_store %arg11[%swap3A_327, %swap3A_328], %swap3A_331 {add = true, strides = array<i32>} : memref<32x768xf32, #tpu.memory_space<vmem>>, vector<1x16xf32>,
        %get3A_332 = arith.index_cast %add3A_90 : i32 to index
        %get3A_333 = arith.constant 432 : index
        %get3A_334 = tpu.vector_load %arg12[%get3A_332, %get3A_333] {strides = array<i32>} : memref<32x768xf32, #tpu.memory_space<vmem>>, vector<1x16xf32>,
        %get3A_335 = vector.shape_cast %get3A_334 : vector<1x16xf32> to vector<16xf32>
        %swap3A_336 = arith.index_cast %add3A_90 : i32 to index
        %swap3A_337 = arith.constant 432 : index
        %swap3A_338 = tpu.vector_load %arg11[%swap3A_336, %swap3A_337] {strides = array<i32>} : memref<32x768xf32, #tpu.memory_space<vmem>>, vector<1x16xf32>,
        %swap3A_339 = vector.shape_cast %swap3A_338 : vector<1x16xf32> to vector<16xf32>
        %swap3A_340 = vector.shape_cast %get3A_335 : vector<16xf32> to vector<1x16xf32>
        tpu.vector_store %arg11[%swap3A_336, %swap3A_337], %swap3A_340 {add = true, strides = array<i32>} : memref<32x768xf32, #tpu.memory_space<vmem>>, vector<1x16xf32>,
        %get3A_341 = arith.index_cast %add3A_90 : i32 to index
        %get3A_342 = arith.constant 448 : index
        %get3A_343 = tpu.vector_load %arg12[%get3A_341, %get3A_342] {strides = array<i32>} : memref<32x768xf32, #tpu.memory_space<vmem>>, vector<1x16xf32>,
        %get3A_344 = vector.shape_cast %get3A_343 : vector<1x16xf32> to vector<16xf32>
        %swap3A_345 = arith.index_cast %add3A_90 : i32 to index
        %swap3A_346 = arith.constant 448 : index
        %swap3A_347 = tpu.vector_load %arg11[%swap3A_345, %swap3A_346] {strides = array<i32>} : memref<32x768xf32, #tpu.memory_space<vmem>>, vector<1x16xf32>,
        %swap3A_348 = vector.shape_cast %swap3A_347 : vector<1x16xf32> to vector<16xf32>
        %swap3A_349 = vector.shape_cast %get3A_344 : vector<16xf32> to vector<1x16xf32>
        tpu.vector_store %arg11[%swap3A_345, %swap3A_346], %swap3A_349 {add = true, strides = array<i32>} : memref<32x768xf32, #tpu.memory_space<vmem>>, vector<1x16xf32>,
        %get3A_350 = arith.index_cast %add3A_90 : i32 to index
        %get3A_351 = arith.constant 464 : index
        %get3A_352 = tpu.vector_load %arg12[%get3A_350, %get3A_351] {strides = array<i32>} : memref<32x768xf32, #tpu.memory_space<vmem>>, vector<1x16xf32>,
        %get3A_353 = vector.shape_cast %get3A_352 : vector<1x16xf32> to vector<16xf32>
        %swap3A_354 = arith.index_cast %add3A_90 : i32 to index
        %swap3A_355 = arith.constant 464 : index
        %swap3A_356 = tpu.vector_load %arg11[%swap3A_354, %swap3A_355] {strides = array<i32>} : memref<32x768xf32, #tpu.memory_space<vmem>>, vector<1x16xf32>,
        %swap3A_357 = vector.shape_cast %swap3A_356 : vector<1x16xf32> to vector<16xf32>
        %swap3A_358 = vector.shape_cast %get3A_353 : vector<16xf32> to vector<1x16xf32>
        tpu.vector_store %arg11[%swap3A_354, %swap3A_355], %swap3A_358 {add = true, strides = array<i32>} : memref<32x768xf32, #tpu.memory_space<vmem>>, vector<1x16xf32>,
        %get3A_359 = arith.index_cast %add3A_90 : i32 to index
        %get3A_360 = arith.constant 480 : index
        %get3A_361 = tpu.vector_load %arg12[%get3A_359, %get3A_360] {strides = array<i32>} : memref<32x768xf32, #tpu.memory_space<vmem>>, vector<1x16xf32>,
        %get3A_362 = vector.shape_cast %get3A_361 : vector<1x16xf32> to vector<16xf32>
        %swap3A_363 = arith.index_cast %add3A_90 : i32 to index
        %swap3A_364 = arith.constant 480 : index
        %swap3A_365 = tpu.vector_load %arg11[%swap3A_363, %swap3A_364] {strides = array<i32>} : memref<32x768xf32, #tpu.memory_space<vmem>>, vector<1x16xf32>,
        %swap3A_366 = vector.shape_cast %swap3A_365 : vector<1x16xf32> to vector<16xf32>
        %swap3A_367 = vector.shape_cast %get3A_362 : vector<16xf32> to vector<1x16xf32>
        tpu.vector_store %arg11[%swap3A_363, %swap3A_364], %swap3A_367 {add = true, strides = array<i32>} : memref<32x768xf32, #tpu.memory_space<vmem>>, vector<1x16xf32>,
        %get3A_368 = arith.index_cast %add3A_90 : i32 to index
        %get3A_369 = arith.constant 496 : index
        %get3A_370 = tpu.vector_load %arg12[%get3A_368, %get3A_369] {strides = array<i32>} : memref<32x768xf32, #tpu.memory_space<vmem>>, vector<1x16xf32>,
        %get3A_371 = vector.shape_cast %get3A_370 : vector<1x16xf32> to vector<16xf32>
        %swap3A_372 = arith.index_cast %add3A_90 : i32 to index
        %swap3A_373 = arith.constant 496 : index
        %swap3A_374 = tpu.vector_load %arg11[%swap3A_372, %swap3A_373] {strides = array<i32>} : memref<32x768xf32, #tpu.memory_space<vmem>>, vector<1x16xf32>,
        %swap3A_375 = vector.shape_cast %swap3A_374 : vector<1x16xf32> to vector<16xf32>
        %swap3A_376 = vector.shape_cast %get3A_371 : vector<16xf32> to vector<1x16xf32>
        tpu.vector_store %arg11[%swap3A_372, %swap3A_373], %swap3A_376 {add = true, strides = array<i32>} : memref<32x768xf32, #tpu.memory_space<vmem>>, vector<1x16xf32>,
        %get3A_377 = arith.index_cast %add3A_90 : i32 to index
        %get3A_378 = arith.constant 512 : index
        %get3A_379 = tpu.vector_load %arg12[%get3A_377, %get3A_378] {strides = array<i32>} : memref<32x768xf32, #tpu.memory_space<vmem>>, vector<1x16xf32>,
        %get3A_380 = vector.shape_cast %get3A_379 : vector<1x16xf32> to vector<16xf32>
        %swap3A_381 = arith.index_cast %add3A_90 : i32 to index
        %swap3A_382 = arith.constant 512 : index
        %swap3A_383 = tpu.vector_load %arg11[%swap3A_381, %swap3A_382] {strides = array<i32>} : memref<32x768xf32, #tpu.memory_space<vmem>>, vector<1x16xf32>,
        %swap3A_384 = vector.shape_cast %swap3A_383 : vector<1x16xf32> to vector<16xf32>
        %swap3A_385 = vector.shape_cast %get3A_380 : vector<16xf32> to vector<1x16xf32>
        tpu.vector_store %arg11[%swap3A_381, %swap3A_382], %swap3A_385 {add = true, strides = array<i32>} : memref<32x768xf32, #tpu.memory_space<vmem>>, vector<1x16xf32>,
        %get3A_386 = arith.index_cast %add3A_90 : i32 to index
        %get3A_387 = arith.constant 528 : index
        %get3A_388 = tpu.vector_load %arg12[%get3A_386, %get3A_387] {strides = array<i32>} : memref<32x768xf32, #tpu.memory_space<vmem>>, vector<1x16xf32>,
        %get3A_389 = vector.shape_cast %get3A_388 : vector<1x16xf32> to vector<16xf32>
        %swap3A_390 = arith.index_cast %add3A_90 : i32 to index
        %swap3A_391 = arith.constant 528 : index
        %swap3A_392 = tpu.vector_load %arg11[%swap3A_390, %swap3A_391] {strides = array<i32>} : memref<32x768xf32, #tpu.memory_space<vmem>>, vector<1x16xf32>,
        %swap3A_393 = vector.shape_cast %swap3A_392 : vector<1x16xf32> to vector<16xf32>
        %swap3A_394 = vector.shape_cast %get3A_389 : vector<16xf32> to vector<1x16xf32>
        tpu.vector_store %arg11[%swap3A_390, %swap3A_391], %swap3A_394 {add = true, strides = array<i32>} : memref<32x768xf32, #tpu.memory_space<vmem>>, vector<1x16xf32>,
        %get3A_395 = arith.index_cast %add3A_90 : i32 to index
        %get3A_396 = arith.constant 544 : index
        %get3A_397 = tpu.vector_load %arg12[%get3A_395, %get3A_396] {strides = array<i32>} : memref<32x768xf32, #tpu.memory_space<vmem>>, vector<1x16xf32>,
        %get3A_398 = vector.shape_cast %get3A_397 : vector<1x16xf32> to vector<16xf32>
        %swap3A_399 = arith.index_cast %add3A_90 : i32 to index
        %swap3A_400 = arith.constant 544 : index
        %swap3A_401 = tpu.vector_load %arg11[%swap3A_399, %swap3A_400] {strides = array<i32>} : memref<32x768xf32, #tpu.memory_space<vmem>>, vector<1x16xf32>,
        %swap3A_402 = vector.shape_cast %swap3A_401 : vector<1x16xf32> to vector<16xf32>
        %swap3A_403 = vector.shape_cast %get3A_398 : vector<16xf32> to vector<1x16xf32>
        tpu.vector_store %arg11[%swap3A_399, %swap3A_400], %swap3A_403 {add = true, strides = array<i32>} : memref<32x768xf32, #tpu.memory_space<vmem>>, vector<1x16xf32>,
        %get3A_404 = arith.index_cast %add3A_90 : i32 to index
        %get3A_405 = arith.constant 560 : index
        %get3A_406 = tpu.vector_load %arg12[%get3A_404, %get3A_405] {strides = array<i32>} : memref<32x768xf32, #tpu.memory_space<vmem>>, vector<1x16xf32>,
        %get3A_407 = vector.shape_cast %get3A_406 : vector<1x16xf32> to vector<16xf32>
        %swap3A_408 = arith.index_cast %add3A_90 : i32 to index
        %swap3A_409 = arith.constant 560 : index
        %swap3A_410 = tpu.vector_load %arg11[%swap3A_408, %swap3A_409] {strides = array<i32>} : memref<32x768xf32, #tpu.memory_space<vmem>>, vector<1x16xf32>,
        %swap3A_411 = vector.shape_cast %swap3A_410 : vector<1x16xf32> to vector<16xf32>
        %swap3A_412 = vector.shape_cast %get3A_407 : vector<16xf32> to vector<1x16xf32>
        tpu.vector_store %arg11[%swap3A_408, %swap3A_409], %swap3A_412 {add = true, strides = array<i32>} : memref<32x768xf32, #tpu.memory_space<vmem>>, vector<1x16xf32>,
        %get3A_413 = arith.index_cast %add3A_90 : i32 to index
        %get3A_414 = arith.constant 576 : index
        %get3A_415 = tpu.vector_load %arg12[%get3A_413, %get3A_414] {strides = array<i32>} : memref<32x768xf32, #tpu.memory_space<vmem>>, vector<1x16xf32>,
        %get3A_416 = vector.shape_cast %get3A_415 : vector<1x16xf32> to vector<16xf32>
        %swap3A_417 = arith.index_cast %add3A_90 : i32 to index
        %swap3A_418 = arith.constant 576 : index
        %swap3A_419 = tpu.vector_load %arg11[%swap3A_417, %swap3A_418] {strides = array<i32>} : memref<32x768xf32, #tpu.memory_space<vmem>>, vector<1x16xf32>,
        %swap3A_420 = vector.shape_cast %swap3A_419 : vector<1x16xf32> to vector<16xf32>
        %swap3A_421 = vector.shape_cast %get3A_416 : vector<16xf32> to vector<1x16xf32>
        tpu.vector_store %arg11[%swap3A_417, %swap3A_418], %swap3A_421 {add = true, strides = array<i32>} : memref<32x768xf32, #tpu.memory_space<vmem>>, vector<1x16xf32>,
        %get3A_422 = arith.index_cast %add3A_90 : i32 to index
        %get3A_423 = arith.constant 592 : index
        %get3A_424 = tpu.vector_load %arg12[%get3A_422, %get3A_423] {strides = array<i32>} : memref<32x768xf32, #tpu.memory_space<vmem>>, vector<1x16xf32>,
        %get3A_425 = vector.shape_cast %get3A_424 : vector<1x16xf32> to vector<16xf32>
        %swap3A_426 = arith.index_cast %add3A_90 : i32 to index
        %swap3A_427 = arith.constant 592 : index
        %swap3A_428 = tpu.vector_load %arg11[%swap3A_426, %swap3A_427] {strides = array<i32>} : memref<32x768xf32, #tpu.memory_space<vmem>>, vector<1x16xf32>,
        %swap3A_429 = vector.shape_cast %swap3A_428 : vector<1x16xf32> to vector<16xf32>
        %swap3A_430 = vector.shape_cast %get3A_425 : vector<16xf32> to vector<1x16xf32>
        tpu.vector_store %arg11[%swap3A_426, %swap3A_427], %swap3A_430 {add = true, strides = array<i32>} : memref<32x768xf32, #tpu.memory_space<vmem>>, vector<1x16xf32>,
        %get3A_431 = arith.index_cast %add3A_90 : i32 to index
        %get3A_432 = arith.constant 608 : index
        %get3A_433 = tpu.vector_load %arg12[%get3A_431, %get3A_432] {strides = array<i32>} : memref<32x768xf32, #tpu.memory_space<vmem>>, vector<1x16xf32>,
        %get3A_434 = vector.shape_cast %get3A_433 : vector<1x16xf32> to vector<16xf32>
        %swap3A_435 = arith.index_cast %add3A_90 : i32 to index
        %swap3A_436 = arith.constant 608 : index
        %swap3A_437 = tpu.vector_load %arg11[%swap3A_435, %swap3A_436] {strides = array<i32>} : memref<32x768xf32, #tpu.memory_space<vmem>>, vector<1x16xf32>,
        %swap3A_438 = vector.shape_cast %swap3A_437 : vector<1x16xf32> to vector<16xf32>
        %swap3A_439 = vector.shape_cast %get3A_434 : vector<16xf32> to vector<1x16xf32>
        tpu.vector_store %arg11[%swap3A_435, %swap3A_436], %swap3A_439 {add = true, strides = array<i32>} : memref<32x768xf32, #tpu.memory_space<vmem>>, vector<1x16xf32>,
        %get3A_440 = arith.index_cast %add3A_90 : i32 to index
        %get3A_441 = arith.constant 624 : index
        %get3A_442 = tpu.vector_load %arg12[%get3A_440, %get3A_441] {strides = array<i32>} : memref<32x768xf32, #tpu.memory_space<vmem>>, vector<1x16xf32>,
        %get3A_443 = vector.shape_cast %get3A_442 : vector<1x16xf32> to vector<16xf32>
        %swap3A_444 = arith.index_cast %add3A_90 : i32 to index
        %swap3A_445 = arith.constant 624 : index
        %swap3A_446 = tpu.vector_load %arg11[%swap3A_444, %swap3A_445] {strides = array<i32>} : memref<32x768xf32, #tpu.memory_space<vmem>>, vector<1x16xf32>,
        %swap3A_447 = vector.shape_cast %swap3A_446 : vector<1x16xf32> to vector<16xf32>
        %swap3A_448 = vector.shape_cast %get3A_443 : vector<16xf32> to vector<1x16xf32>
        tpu.vector_store %arg11[%swap3A_444, %swap3A_445], %swap3A_448 {add = true, strides = array<i32>} : memref<32x768xf32, #tpu.memory_space<vmem>>, vector<1x16xf32>,
        %get3A_449 = arith.index_cast %add3A_90 : i32 to index
        %get3A_450 = arith.constant 640 : index
        %get3A_451 = tpu.vector_load %arg12[%get3A_449, %get3A_450] {strides = array<i32>} : memref<32x768xf32, #tpu.memory_space<vmem>>, vector<1x16xf32>,
        %get3A_452 = vector.shape_cast %get3A_451 : vector<1x16xf32> to vector<16xf32>
        %swap3A_453 = arith.index_cast %add3A_90 : i32 to index
        %swap3A_454 = arith.constant 640 : index
        %swap3A_455 = tpu.vector_load %arg11[%swap3A_453, %swap3A_454] {strides = array<i32>} : memref<32x768xf32, #tpu.memory_space<vmem>>, vector<1x16xf32>,
        %swap3A_456 = vector.shape_cast %swap3A_455 : vector<1x16xf32> to vector<16xf32>
        %swap3A_457 = vector.shape_cast %get3A_452 : vector<16xf32> to vector<1x16xf32>
        tpu.vector_store %arg11[%swap3A_453, %swap3A_454], %swap3A_457 {add = true, strides = array<i32>} : memref<32x768xf32, #tpu.memory_space<vmem>>, vector<1x16xf32>,
        %get3A_458 = arith.index_cast %add3A_90 : i32 to index
        %get3A_459 = arith.constant 656 : index
        %get3A_460 = tpu.vector_load %arg12[%get3A_458, %get3A_459] {strides = array<i32>} : memref<32x768xf32, #tpu.memory_space<vmem>>, vector<1x16xf32>,
        %get3A_461 = vector.shape_cast %get3A_460 : vector<1x16xf32> to vector<16xf32>
        %swap3A_462 = arith.index_cast %add3A_90 : i32 to index
        %swap3A_463 = arith.constant 656 : index
        %swap3A_464 = tpu.vector_load %arg11[%swap3A_462, %swap3A_463] {strides = array<i32>} : memref<32x768xf32, #tpu.memory_space<vmem>>, vector<1x16xf32>,
        %swap3A_465 = vector.shape_cast %swap3A_464 : vector<1x16xf32> to vector<16xf32>
        %swap3A_466 = vector.shape_cast %get3A_461 : vector<16xf32> to vector<1x16xf32>
        tpu.vector_store %arg11[%swap3A_462, %swap3A_463], %swap3A_466 {add = true, strides = array<i32>} : memref<32x768xf32, #tpu.memory_space<vmem>>, vector<1x16xf32>,
        %get3A_467 = arith.index_cast %add3A_90 : i32 to index
        %get3A_468 = arith.constant 672 : index
        %get3A_469 = tpu.vector_load %arg12[%get3A_467, %get3A_468] {strides = array<i32>} : memref<32x768xf32, #tpu.memory_space<vmem>>, vector<1x16xf32>,
        %get3A_470 = vector.shape_cast %get3A_469 : vector<1x16xf32> to vector<16xf32>
        %swap3A_471 = arith.index_cast %add3A_90 : i32 to index
        %swap3A_472 = arith.constant 672 : index
        %swap3A_473 = tpu.vector_load %arg11[%swap3A_471, %swap3A_472] {strides = array<i32>} : memref<32x768xf32, #tpu.memory_space<vmem>>, vector<1x16xf32>,
        %swap3A_474 = vector.shape_cast %swap3A_473 : vector<1x16xf32> to vector<16xf32>
        %swap3A_475 = vector.shape_cast %get3A_470 : vector<16xf32> to vector<1x16xf32>
        tpu.vector_store %arg11[%swap3A_471, %swap3A_472], %swap3A_475 {add = true, strides = array<i32>} : memref<32x768xf32, #tpu.memory_space<vmem>>, vector<1x16xf32>,
        %get3A_476 = arith.index_cast %add3A_90 : i32 to index
        %get3A_477 = arith.constant 688 : index
        %get3A_478 = tpu.vector_load %arg12[%get3A_476, %get3A_477] {strides = array<i32>} : memref<32x768xf32, #tpu.memory_space<vmem>>, vector<1x16xf32>,
        %get3A_479 = vector.shape_cast %get3A_478 : vector<1x16xf32> to vector<16xf32>
        %swap3A_480 = arith.index_cast %add3A_90 : i32 to index
        %swap3A_481 = arith.constant 688 : index
        %swap3A_482 = tpu.vector_load %arg11[%swap3A_480, %swap3A_481] {strides = array<i32>} : memref<32x768xf32, #tpu.memory_space<vmem>>, vector<1x16xf32>,
        %swap3A_483 = vector.shape_cast %swap3A_482 : vector<1x16xf32> to vector<16xf32>
        %swap3A_484 = vector.shape_cast %get3A_479 : vector<16xf32> to vector<1x16xf32>
        tpu.vector_store %arg11[%swap3A_480, %swap3A_481], %swap3A_484 {add = true, strides = array<i32>} : memref<32x768xf32, #tpu.memory_space<vmem>>, vector<1x16xf32>,
        %get3A_485 = arith.index_cast %add3A_90 : i32 to index
        %get3A_486 = arith.constant 704 : index
        %get3A_487 = tpu.vector_load %arg12[%get3A_485, %get3A_486] {strides = array<i32>} : memref<32x768xf32, #tpu.memory_space<vmem>>, vector<1x16xf32>,
        %get3A_488 = vector.shape_cast %get3A_487 : vector<1x16xf32> to vector<16xf32>
        %swap3A_489 = arith.index_cast %add3A_90 : i32 to index
        %swap3A_490 = arith.constant 704 : index
        %swap3A_491 = tpu.vector_load %arg11[%swap3A_489, %swap3A_490] {strides = array<i32>} : memref<32x768xf32, #tpu.memory_space<vmem>>, vector<1x16xf32>,
        %swap3A_492 = vector.shape_cast %swap3A_491 : vector<1x16xf32> to vector<16xf32>
        %swap3A_493 = vector.shape_cast %get3A_488 : vector<16xf32> to vector<1x16xf32>
        tpu.vector_store %arg11[%swap3A_489, %swap3A_490], %swap3A_493 {add = true, strides = array<i32>} : memref<32x768xf32, #tpu.memory_space<vmem>>, vector<1x16xf32>,
        %get3A_494 = arith.index_cast %add3A_90 : i32 to index
        %get3A_495 = arith.constant 720 : index
        %get3A_496 = tpu.vector_load %arg12[%get3A_494, %get3A_495] {strides = array<i32>} : memref<32x768xf32, #tpu.memory_space<vmem>>, vector<1x16xf32>,
        %get3A_497 = vector.shape_cast %get3A_496 : vector<1x16xf32> to vector<16xf32>
        %swap3A_498 = arith.index_cast %add3A_90 : i32 to index
        %swap3A_499 = arith.constant 720 : index
        %swap3A_500 = tpu.vector_load %arg11[%swap3A_498, %swap3A_499] {strides = array<i32>} : memref<32x768xf32, #tpu.memory_space<vmem>>, vector<1x16xf32>,
        %swap3A_501 = vector.shape_cast %swap3A_500 : vector<1x16xf32> to vector<16xf32>
        %swap3A_502 = vector.shape_cast %get3A_497 : vector<16xf32> to vector<1x16xf32>
        tpu.vector_store %arg11[%swap3A_498, %swap3A_499], %swap3A_502 {add = true, strides = array<i32>} : memref<32x768xf32, #tpu.memory_space<vmem>>, vector<1x16xf32>,
        %get3A_503 = arith.index_cast %add3A_90 : i32 to index
        %get3A_504 = arith.constant 736 : index
        %get3A_505 = tpu.vector_load %arg12[%get3A_503, %get3A_504] {strides = array<i32>} : memref<32x768xf32, #tpu.memory_space<vmem>>, vector<1x16xf32>,
        %get3A_506 = vector.shape_cast %get3A_505 : vector<1x16xf32> to vector<16xf32>
        %swap3A_507 = arith.index_cast %add3A_90 : i32 to index
        %swap3A_508 = arith.constant 736 : index
        %swap3A_509 = tpu.vector_load %arg11[%swap3A_507, %swap3A_508] {strides = array<i32>} : memref<32x768xf32, #tpu.memory_space<vmem>>, vector<1x16xf32>,
        %swap3A_510 = vector.shape_cast %swap3A_509 : vector<1x16xf32> to vector<16xf32>
        %swap3A_511 = vector.shape_cast %get3A_506 : vector<16xf32> to vector<1x16xf32>
        tpu.vector_store %arg11[%swap3A_507, %swap3A_508], %swap3A_511 {add = true, strides = array<i32>} : memref<32x768xf32, #tpu.memory_space<vmem>>, vector<1x16xf32>,
        %get3A_512 = arith.index_cast %add3A_90 : i32 to index
        %get3A_513 = arith.constant 752 : index
        %get3A_514 = tpu.vector_load %arg12[%get3A_512, %get3A_513] {strides = array<i32>} : memref<32x768xf32, #tpu.memory_space<vmem>>, vector<1x16xf32>,
        %get3A_515 = vector.shape_cast %get3A_514 : vector<1x16xf32> to vector<16xf32>
        %swap3A_516 = arith.index_cast %add3A_90 : i32 to index
        %swap3A_517 = arith.constant 752 : index
        %swap3A_518 = tpu.vector_load %arg11[%swap3A_516, %swap3A_517] {strides = array<i32>} : memref<32x768xf32, #tpu.memory_space<vmem>>, vector<1x16xf32>,
        %swap3A_519 = vector.shape_cast %swap3A_518 : vector<1x16xf32> to vector<16xf32>
        %swap3A_520 = vector.shape_cast %get3A_515 : vector<16xf32> to vector<1x16xf32>
        tpu.vector_store %arg11[%swap3A_516, %swap3A_517], %swap3A_520 {add = true, strides = array<i32>} : memref<32x768xf32, #tpu.memory_space<vmem>>, vector<1x16xf32>,
      }
      %scan3A_74 = arith.constant 32 : i32
      %add3A_75 = arith.constant 32 : i32
      %add3A_76 = arith.addi %add3A_37, %add3A_75 : i32
      %add3A_77 = arith.addi %mul3A_2, %add3A_76 : i32
      %dma_start3A_78 = arith.constant 0 : i32
      %dma_start3A_79 = tpu.memref_slice %arg6[%add3A_77, %dma_start3A_78] : memref<32768x768xf32, #tpu.memory_space<hbm>> -> memref<32x768xf32, #tpu.memory_space<hbm>>
      %dma_start3A_80 = arith.constant 0 : i32
      %dma_start3A_81 = tpu.memref_slice %arg6[%add3A_77, %dma_start3A_80] : memref<32768x768xf32, #tpu.memory_space<hbm>> -> memref<32x768xf32, #tpu.memory_space<hbm>>
      tpu.enqueue_dma source(%arg11 : memref<32x768xf32, #tpu.memory_space<vmem>>) target(%dma_start3A_81 : memref<32x768xf32, #tpu.memory_space<hbm>>) target_semaphore(%arg18 : memref<!tpu.dma_semaphore, #tpu.memory_space<semaphore_mem>>)
      %add3A_82 = arith.constant 64 : i32
      %add3A_83 = arith.addi %add3A_37, %add3A_82 : i32
      %lt3A = arith.constant 1024 : i32
      %lt3A_84 = arith.cmpi slt, %add3A_83, %lt3A : i32
      %convert_element_type3A = arith.extui %lt3A_84 : i1 to i32
      %cond3A = arith.constant 0 : i32
      %cond3A_85 = arith.cmpi ne, %convert_element_type3A, %cond3A : i32
      scf.if %cond3A_85 {
        %dma_wait3A_86 = arith.constant 0 : i32
        %dma_wait3A_87 = tpu.memref_slice %arg6[%mul3A_2, %dma_wait3A_86] : memref<32768x768xf32, #tpu.memory_space<hbm>> -> memref<32x768xf32, #tpu.memory_space<hbm>>
        %dma_wait3A_88 = arith.constant 0 : i32
        %dma_wait3A_89 = tpu.memref_slice %arg6[%mul3A_2, %dma_wait3A_88] : memref<32768x768xf32, #tpu.memory_space<hbm>> -> memref<32x768xf32, #tpu.memory_space<hbm>>
        tpu.wait_dma2 semaphore(%arg15 : memref<!tpu.dma_semaphore, #tpu.memory_space<semaphore_mem>>) src(%arg9 : memref<32x768xf32, #tpu.memory_space<vmem>>) dst(%dma_wait3A_89 : memref<32x768xf32, #tpu.memory_space<hbm>>)
        %add3A_90 = arith.constant 64 : i32
        %add3A_91 = arith.addi %add3A_37, %add3A_90 : i32
        %dma_start3A_92 = tpu.memref_slice %arg7[%add3A_91] : memref<1024xi32, #tpu.memory_space<vmem>> -> memref<32xi32, #tpu.memory_space<vmem>>
        %dma_start3A_93 = arith.constant 0 : i32
        %dma_start3A_94 = arith.constant 0 : i32
        %dma_start3A_95 = tpu.memref_slice %arg2[%dma_start3A_93, %dma_start3A_94] : memref<100000x768xf32, #tpu.memory_space<hbm>> -> memref<100000x768xf32, #tpu.memory_space<hbm>>
        tpu.enqueue_indirect_dma source(%dma_start3A_95 : memref<100000x768xf32, #tpu.memory_space<hbm>>) target(%arg9 : memref<32x768xf32, #tpu.memory_space<vmem>>) offsets(%dma_start3A_92 : memref<32xi32, #tpu.memory_space<vmem>>) semaphore(%arg13 : memref<!tpu.dma_semaphore, #tpu.memory_space<semaphore_mem>>)
        %dma_start3A_96 = tpu.memref_slice %arg8[%add3A_91] : memref<1024xi32, #tpu.memory_space<vmem>> -> memref<32xi32, #tpu.memory_space<vmem>>
        %dma_start3A_97 = arith.constant 0 : i32
        %dma_start3A_98 = arith.constant 0 : i32
        %dma_start3A_99 = tpu.memref_slice %arg3[%dma_start3A_97, %dma_start3A_98] : memref<8192x768xf32, #tpu.memory_space<hbm>> -> memref<8192x768xf32, #tpu.memory_space<hbm>>
        tpu.enqueue_indirect_dma source(%dma_start3A_99 : memref<8192x768xf32, #tpu.memory_space<hbm>>) target(%arg10 : memref<32x768xf32, #tpu.memory_space<vmem>>) offsets(%dma_start3A_96 : memref<32xi32, #tpu.memory_space<vmem>>) semaphore(%arg14 : memref<!tpu.dma_semaphore, #tpu.memory_space<semaphore_mem>>)
        %dma_wait3A_100 = arith.constant 0 : i32
        %dma_wait3A_101 = tpu.memref_slice %arg6[%mul3A_2, %dma_wait3A_100] : memref<32768x768xf32, #tpu.memory_space<hbm>> -> memref<32x768xf32, #tpu.memory_space<hbm>>
        %dma_wait3A_102 = arith.constant 0 : i32
        %dma_wait3A_103 = tpu.memref_slice %arg6[%mul3A_2, %dma_wait3A_102] : memref<32768x768xf32, #tpu.memory_space<hbm>> -> memref<32x768xf32, #tpu.memory_space<hbm>>
        tpu.wait_dma2 semaphore(%arg18 : memref<!tpu.dma_semaphore, #tpu.memory_space<semaphore_mem>>) src(%arg11 : memref<32x768xf32, #tpu.memory_space<vmem>>) dst(%dma_wait3A_103 : memref<32x768xf32, #tpu.memory_space<hbm>>)
        %add3A_104 = arith.constant 96 : i32
        %add3A_105 = arith.addi %add3A_37, %add3A_104 : i32
        %dma_start3A_106 = tpu.memref_slice %arg7[%add3A_105] : memref<1024xi32, #tpu.memory_space<vmem>> -> memref<32xi32, #tpu.memory_space<vmem>>
        %dma_start3A_107 = arith.constant 0 : i32
        %dma_start3A_108 = arith.constant 0 : i32
        %dma_start3A_109 = tpu.memref_slice %arg2[%dma_start3A_107, %dma_start3A_108] : memref<100000x768xf32, #tpu.memory_space<hbm>> -> memref<100000x768xf32, #tpu.memory_space<hbm>>
        tpu.enqueue_indirect_dma source(%dma_start3A_109 : memref<100000x768xf32, #tpu.memory_space<hbm>>) target(%arg11 : memref<32x768xf32, #tpu.memory_space<vmem>>) offsets(%dma_start3A_106 : memref<32xi32, #tpu.memory_space<vmem>>) semaphore(%arg16 : memref<!tpu.dma_semaphore, #tpu.memory_space<semaphore_mem>>)
        %dma_start3A_110 = tpu.memref_slice %arg8[%add3A_105] : memref<1024xi32, #tpu.memory_space<vmem>> -> memref<32xi32, #tpu.memory_space<vmem>>
        %dma_start3A_111 = arith.constant 0 : i32
        %dma_start3A_112 = arith.constant 0 : i32
        %dma_start3A_113 = tpu.memref_slice %arg3[%dma_start3A_111, %dma_start3A_112] : memref<8192x768xf32, #tpu.memory_space<hbm>> -> memref<8192x768xf32, #tpu.memory_space<hbm>>
        tpu.enqueue_indirect_dma source(%dma_start3A_113 : memref<8192x768xf32, #tpu.memory_space<hbm>>) target(%arg12 : memref<32x768xf32, #tpu.memory_space<vmem>>) offsets(%dma_start3A_110 : memref<32xi32, #tpu.memory_space<vmem>>) semaphore(%arg17 : memref<!tpu.dma_semaphore, #tpu.memory_space<semaphore_mem>>)
      } else {
      }
    }
    %scan3A_25 = arith.constant 16 : i32
    %dma_wait3A = arith.constant 0 : i32
    %dma_wait3A_26 = tpu.memref_slice %arg6[%mul3A_2, %dma_wait3A] : memref<32768x768xf32, #tpu.memory_space<hbm>> -> memref<32x768xf32, #tpu.memory_space<hbm>>
    %dma_wait3A_27 = arith.constant 0 : i32
    %dma_wait3A_28 = tpu.memref_slice %arg6[%mul3A_2, %dma_wait3A_27] : memref<32768x768xf32, #tpu.memory_space<hbm>> -> memref<32x768xf32, #tpu.memory_space<hbm>>
    tpu.wait_dma2 semaphore(%arg15 : memref<!tpu.dma_semaphore, #tpu.memory_space<semaphore_mem>>) src(%arg9 : memref<32x768xf32, #tpu.memory_space<vmem>>) dst(%dma_wait3A_28 : memref<32x768xf32, #tpu.memory_space<hbm>>)
    %dma_wait3A_29 = arith.constant 0 : i32
    %dma_wait3A_30 = tpu.memref_slice %arg6[%mul3A_2, %dma_wait3A_29] : memref<32768x768xf32, #tpu.memory_space<hbm>> -> memref<32x768xf32, #tpu.memory_space<hbm>>
    %dma_wait3A_31 = arith.constant 0 : i32
    %dma_wait3A_32 = tpu.memref_slice %arg6[%mul3A_2, %dma_wait3A_31] : memref<32768x768xf32, #tpu.memory_space<hbm>> -> memref<32x768xf32, #tpu.memory_space<hbm>>
    tpu.wait_dma2 semaphore(%arg18 : memref<!tpu.dma_semaphore, #tpu.memory_space<semaphore_mem>>) src(%arg11 : memref<32x768xf32, #tpu.memory_space<vmem>>) dst(%dma_wait3A_32 : memref<32x768xf32, #tpu.memory_space<hbm>>)
    return
  }
}

module attributes {stable_mosaic.version = 14 : i64} {
  func.func @_ln_body(%arg0: i32, %arg1: memref<512x768xf32, #tpu.memory_space<vmem>>, %arg2: memref<1x768xf32, #tpu.memory_space<vmem>>, %arg3: memref<1x768xf32, #tpu.memory_space<vmem>>, %arg4: memref<512x768xf32, #tpu.memory_space<vmem>>) attributes {dimension_semantics = [#tpu.dimension_semantics<parallel>], iteration_bounds = array<i64: 64>, scalar_prefetch = 0 : i64, scratch_operands = 0 : i64, tpu.core_type = #tpu.core_type<tc>, window_params = [{transform_indices = @transform_0, window_bounds = array<i64: 512, 768>}, {pipeline_mode = #tpu.pipeline_mode<synchronous>, transform_indices = @transform_1, window_bounds = array<i64: 1, 768>}, {pipeline_mode = #tpu.pipeline_mode<synchronous>, transform_indices = @transform_2, window_bounds = array<i64: 1, 768>}, {transform_indices = @transform_3, window_bounds = array<i64: 512, 768>}]} {
    %get3A = arith.constant 0 : index
    %get3A_0 = arith.constant 0 : index
    %get3A_1 = vector.load %arg1[%get3A, %get3A_0] : memref<512x768xf32, #tpu.memory_space<vmem>>, vector<512x768xf32>
    %reduce_sum3A = arith.constant dense<0.000000e+00> : vector<512xf32>
    %reduce_sum3A_2 = vector.multi_reduction <add>, %get3A_1, %reduce_sum3A [1] : vector<512x768xf32> to vector<512xf32>
    %broadcast_in_dim3A = vector.shape_cast %reduce_sum3A_2 : vector<512xf32> to vector<512x1xf32>
    %div3A = arith.constant 7.680000e+02 : f32
    %div3A_3 = vector.broadcast %div3A : f32 to vector<512x1xf32>
    %div3A_4 = arith.divf %broadcast_in_dim3A, %div3A_3 : vector<512x1xf32>
    %mul3A = arith.mulf %get3A_1, %get3A_1 : vector<512x768xf32>
    %reduce_sum3A_5 = arith.constant dense<0.000000e+00> : vector<512xf32>
    %reduce_sum3A_6 = vector.multi_reduction <add>, %mul3A, %reduce_sum3A_5 [1] : vector<512x768xf32> to vector<512xf32>
    %broadcast_in_dim3A_7 = vector.shape_cast %reduce_sum3A_6 : vector<512xf32> to vector<512x1xf32>
    %div3A_8 = arith.constant 7.680000e+02 : f32
    %div3A_9 = vector.broadcast %div3A_8 : f32 to vector<512x1xf32>
    %div3A_10 = arith.divf %broadcast_in_dim3A_7, %div3A_9 : vector<512x1xf32>
    %mul3A_11 = arith.mulf %div3A_4, %div3A_4 : vector<512x1xf32>
    %sub3A = arith.subf %div3A_10, %mul3A_11 : vector<512x1xf32>
    %sub3A_12 = vector.broadcast %div3A_4 : vector<512x1xf32> to vector<512x768xf32>
    %sub3A_13 = arith.subf %get3A_1, %sub3A_12 : vector<512x768xf32>
    %add3A = arith.constant 9.99999996E-13 : f32
    %add3A_14 = vector.broadcast %add3A : f32 to vector<512x1xf32>
    %add3A_15 = arith.addf %sub3A, %add3A_14 : vector<512x1xf32>
    %rsqrt3A = math.rsqrt %add3A_15 : vector<512x1xf32>
    %mul3A_16 = vector.broadcast %rsqrt3A : vector<512x1xf32> to vector<512x768xf32>
    %mul3A_17 = arith.mulf %sub3A_13, %mul3A_16 : vector<512x768xf32>
    %get3A_18 = arith.constant 0 : index
    %get3A_19 = arith.constant 0 : index
    %get3A_20 = vector.load %arg2[%get3A_18, %get3A_19] : memref<1x768xf32, #tpu.memory_space<vmem>>, vector<1x768xf32>
    %mul3A_21 = vector.broadcast %get3A_20 : vector<1x768xf32> to vector<512x768xf32>
    %mul3A_22 = arith.mulf %mul3A_17, %mul3A_21 : vector<512x768xf32>
    %get3A_23 = arith.constant 0 : index
    %get3A_24 = arith.constant 0 : index
    %get3A_25 = vector.load %arg3[%get3A_23, %get3A_24] : memref<1x768xf32, #tpu.memory_space<vmem>>, vector<1x768xf32>
    %add3A_26 = vector.broadcast %get3A_25 : vector<1x768xf32> to vector<512x768xf32>
    %add3A_27 = arith.addf %mul3A_22, %add3A_26 : vector<512x768xf32>
    %swap3A = arith.constant 0 : index
    %swap3A_28 = arith.constant 0 : index
    %swap3A_29 = vector.load %arg4[%swap3A, %swap3A_28] : memref<512x768xf32, #tpu.memory_space<vmem>>, vector<512x768xf32>
    tpu.vector_store %arg4[%swap3A, %swap3A_28], %add3A_27 {strides = array<i32>} : memref<512x768xf32, #tpu.memory_space<vmem>>, vector<512x768xf32>,
    return
  }
  func.func @transform_0(%arg0: i32) -> (i32, i32) {
    %c0_i32 = arith.constant 0 : i32
    %c0_i32_0 = arith.constant 0 : i32
    return %arg0, %c0_i32 : i32, i32
  }
  func.func @transform_1(%arg0: i32) -> (i32, i32) {
    %c0_i32 = arith.constant 0 : i32
    %c0_i32_0 = arith.constant 0 : i32
    %c0_i32_1 = arith.constant 0 : i32
    return %c0_i32, %c0_i32_0 : i32, i32
  }
  func.func @transform_2(%arg0: i32) -> (i32, i32) {
    %c0_i32 = arith.constant 0 : i32
    %c0_i32_0 = arith.constant 0 : i32
    %c0_i32_1 = arith.constant 0 : i32
    return %c0_i32, %c0_i32_0 : i32, i32
  }
  func.func @transform_3(%arg0: i32) -> (i32, i32) {
    %add3A = arith.constant 0 : i32
    %add3A_0 = arith.addi %add3A, %arg0 : i32
    %c0_i32 = arith.constant 0 : i32
    %c0_i32_1 = arith.constant 0 : i32
    return %add3A_0, %c0_i32 : i32, i32
  }
}

</mosaic_0001>

<sc_bundles>
// kernel: kernel.4.cloned.1.call-start
scs
__scs_entry_jumppad:
0x0: {  	(pc) =	sbr.rel $0x88, $3  }
0x1: {  	(tag) =	ssettag $0x0;
	lr =	simm.s32 $0x1  }
0x2: {  	[smem:$0x3F9B] =	sst lr;
	_ =	strace $0xD0000000  }
0x3: {  	_ = 	snop  }
0x4: {  	_ = 	snop  }
0x5: {  	_ = 	snop  }
0x6: {  	_ = 	snop  }
0x7: {  	_ = 	snop  }
__scs_overlays_trampoline_lowered:
0x8: {  	[smem:$0x3FAA] =	sst s0  }
0x9: {  	[smem:$0x3FAB] =	sst s1  }
0xa: {  	[smem:$0x3FAC] =	sst s2  }
0xb: {  	[smem:$0x3FAD] =	sst s3  }
0xc: {  	[smem:$0x3FAE] =	sst s4  }
0xd: {  	[smem:$0x3FAF] =	sst s5  }
0xe: {  	[smem:$0x3FB0] =	sst s6  }
0xf: {  	[smem:$0x3FB1] =	sst s7  }
0x10: {  	[smem:$0x3FB2] =	sst s8  }
0x11: {  	[smem:$0x3FB3] =	sst s9;
	s0 =	simm.s32 @!p0 $0x0  }
0x12: {  	s1 =	sld [smem:$0x3F99];
	s0 =	simm.s32 @p0 $0x1  }
0x13: {  	[smem:$0x3FB4] =	sst s0;
	s0 =	simm.s32 @!p1 $0x0  }
0x14: {  	s2 =	sld [smem:$0x3F98];
	s0 =	simm.s32 @p1 $0x1  }
0x15: {  	[smem:$0x3FB5] =	sst s0;
	s0 =	simm.s32 @!p2 $0x0  }
0x16: {  	s3 =	sld [smem:$0x3FDB];
	s0 =	simm.s32 @p2 $0x1  }
0x17: {  	s4 =	simm.s32 $0x1BF5;
	[smem:$0x3FB7] =	sst s0  }
0x18: {  	s0 =	sld [smem:$0x3F9A];
	_ =	swait.ge [sflag:s4], $0x0  }
0x19: {  	s7 =	sld [smem:$0x3F9B]  }
0x1a: {  	s8 =	sadd.s32 $0xFFFFE003, lr  }
0x1b: {  	s9 =	sadd.s32 $0xFFFFFEF7, lr;
	s5 =	simm.s32 $0xFFFFFFFF;
	p2 =	slt.u32 s8, $0xFFFFF086  }
0x1c: {  	p1 =	slt.u32 s9, $0xF7A;
	s5 =	simm.s32 @!p2 $0x0  }
0x1d: {  	s5 =	simm.s32 @p1 $0x1;
	p0 =	seq.s32 s7, s2  }
0x1e: {  	s7 =	smul.u32 @!p0 $0xF7A, s2;
	p2 =	seq.s32 @!p0 s5, $0x0  }
0x1f: {  	s9 =	smul.u32 $0xF7A, s1;
	s8 =	simm.s32 @!p0 $0x1BF5;
	p2 =	por !p2, p0  }
0x20: {  	[sflag:s8] =	ssyncset.s32 @!p0 $0xFFFFF086;
	s6 =	sadd.s32 @!p0 s3, s7;
	s7 =	simm.s32 @!p0 $0x108  }
0x21: {  	s3 =	sadd.s32 s3, s9;
	s6 =	sadd.s32 @!p0 $0x88, s6;
	s7 =	simm.s32 @p2 $0x1082  }
0x22: {  	[simem:s7], [sflag:s8] =	dma.local @!p0 [hbm:s6], $0xF7A  }
0x23: {  	s9 =	sor.u32 $0xD0000000, s2;
	s6 =	simm.s32 $0x108;
	_ =	swait.ge @!p0 [sflag:s8], $0x0  }
0x24: {  	s3 =	sadd.s32 $0x88, s3;
	s6 =	simm.s32 @!p1 $0x1082;
	[sflag:s4] =	ssyncset.s32 $0xFFFFF086  }
0x25: {  	[simem:s6], [sflag:s4] =	dma.local [hbm:s3], $0xF7A  }
0x26: {  	[smem:$0x3F9B] =	sst s1;
	(tag) =	ssettag s2;
	_ =	strace s9  }
0x27: {  	s1 =	sld [smem:$0x3FAB]  }
0x28: {  	s2 =	sld [smem:$0x3FAC]  }
0x29: {  	s4 =	sld [smem:$0x3FAE]  }
0x2a: {  	p0 =	seq.s32 s5, $0x0;
	s5 =	sld [smem:$0x3FAF]  }
0x2b: {  	s6 =	sld [smem:$0x3FB0]  }
0x2c: {  	s7 =	sld [smem:$0x3FB1]  }
0x2d: {  	s3 =	simm.s32 $0x108;
	s8 =	sld [smem:$0x3FB2]  }
0x2e: {  	s3 =	simm.s32 @!p0 $0x1082;
	s9 =	sld [smem:$0x3FB3]  }
0x2f: {  	lr =	sadd.s32 s0, s3;
	s0 =	sld [smem:$0x3FAA]  }
0x30: {  	s3 =	sld [smem:$0x3FAD]  }
0x31: {  	[smem:$0x3FB6] =	sst s10  }
0x32: {  	s10 =	sld [smem:$0x3FB4];
	_ =	sdelay $0x3  }
0x33: {  	p0 =	seq.s32 s10, $0x1;
	s10 =	sld [smem:$0x3FB6];
	_ =	sdelay $0x3  }
0x34: {  	[smem:$0x3FB6] =	sst s10  }
0x35: {  	s10 =	sld [smem:$0x3FB5];
	_ =	sdelay $0x3  }
0x36: {  	p1 =	seq.s32 s10, $0x1;
	s10 =	sld [smem:$0x3FB6];
	_ =	sdelay $0x3  }
0x37: {  	[smem:$0x3FB6] =	sst s10  }
0x38: {  	s10 =	sld [smem:$0x3FB7]  }
0x39: {  	_ = 	snop;
	(pc) =	sbr.ind lr, $3  }
0x3a: {  	_ = 	snop  }
0x3b: {  	_ = 	snop  }
0x3c: {  	p2 =	seq.s32 s10, $0x1;
	s10 =	sld [smem:$0x3FB6]  }
0x3d: {  	_ =	shalt  }
0x3e: {  	_ =	shalt  }
0x3f: {  	_ =	shalt  }
0x40: {  	_ =	shalt  }
0x41: {  	_ =	shalt  }
0x42: {  	_ =	shalt  }
0x43: {  	_ =	shalt  }
0x44: {  	_ =	shalt  }
0x45: {  	_ =	shalt  }
0x46: {  	_ =	shalt  }
0x47: {  	_ =	shalt  }
0x48: {  	_ =	shalt  }
0x49: {  	_ =	shalt  }
0x4a: {  	_ =	shalt  }
0x4b: {  	_ =	shalt  }
0x4c: {  	_ =	shalt  }
0x4d: {  	_ =	shalt  }
0x4e: {  	_ =	shalt  }
0x4f: {  	_ =	shalt  }
0x50: {  	_ =	shalt  }
0x51: {  	_ =	shalt  }
0x52: {  	_ =	shalt  }
0x53: {  	_ =	shalt  }
0x54: {  	_ =	shalt  }
0x55: {  	_ =	shalt  }
0x56: {  	_ =	shalt  }
0x57: {  	_ =	shalt  }
0x58: {  	_ =	shalt  }
0x59: {  	_ =	shalt  }
0x5a: {  	_ =	shalt  }
0x5b: {  	_ =	shalt  }
0x5c: {  	_ =	shalt  }
0x5d: {  	_ =	shalt  }
0x5e: {  	_ =	shalt  }
0x5f: {  	_ =	shalt  }
0x60: {  	_ =	shalt  }
0x61: {  	_ =	shalt  }
0x62: {  	_ =	shalt  }
0x63: {  	_ =	shalt  }
0x64: {  	_ =	shalt  }
0x65: {  	_ =	shalt  }
0x66: {  	_ =	shalt  }
0x67: {  	_ =	shalt  }
0x68: {  	_ =	shalt  }
0x69: {  	_ =	shalt  }
0x6a: {  	_ =	shalt  }
0x6b: {  	_ =	shalt  }
0x6c: {  	_ =	shalt  }
0x6d: {  	_ =	shalt  }
0x6e: {  	_ =	shalt  }
0x6f: {  	_ =	shalt  }
0x70: {  	_ =	shalt  }
0x71: {  	_ =	shalt  }
0x72: {  	_ =	shalt  }
0x73: {  	_ =	shalt  }
0x74: {  	_ =	shalt  }
0x75: {  	_ =	shalt  }
0x76: {  	_ =	shalt  }
0x77: {  	_ =	shalt  }
0x78: {  	_ =	shalt  }
0x79: {  	_ =	shalt  }
0x7a: {  	_ =	shalt  }
0x7b: {  	_ =	shalt  }
0x7c: {  	_ =	shalt  }
0x7d: {  	_ =	shalt  }
0x7e: {  	_ =	shalt  }
0x7f: {  	_ =	shalt  }
0x80: {  	_ =	shalt  }
0x81: {  	_ =	shalt  }
0x82: {  	_ =	shalt  }
0x83: {  	_ =	shalt  }
0x84: {  	_ =	shalt  }
0x85: {  	_ =	shalt  }
0x86: {  	_ =	shalt  }
0x87: {  	_ =	shalt  }
.Lfunc_end0:
.L_simem_size_0:
called_computation_lowered:
.L_overlay_start_0:
0x88: {  	s2 =	sld [smem:$0x3FD9]  }
0x89: {  	s3 =	sld [smem:$0x3FFE];
	_ =	sdelay $0x1  }
0x8a: {  	s1 =	srdreg.scid  }
0x8b: {  	s0 =	sand.u32 $0x1, s1  }
0x8c: {  	s17 =	sshll.u32 s0, $0xA;
	s2 =	sadd.s32 s3, s2  }
0x8d: {  	s2 =	sadd.s32 s2, s17  }
0x8e: {  	[smem:$0x3FC2] =	sst s2  }
0x8f: {  	_ = 	snop  }
0x90: {  	s2 =	sld [smem:$0x3FC7]  }
0x91: {  	s18 =	sld [smem:$0x3FC6]  }
0x92: {  	s4 =	sld [smem:$0x3FD0];
	(tm) =	ssettm $0x1  }
0x93: {  	s5 =	sld [smem:$0x3FFB];
	_ =	sdelay $0x3  }
0x94: {  	_ =	strace s5  }
0x95: {  	s5 =	sld [smem:$0x3FFC];
	_ =	sdelay $0x3  }
0x96: {  	_ =	strace s5  }
0x97: {  	s5 =	sld [smem:$0x3FFD];
	_ =	sdelay $0x3  }
0x98: {  	_ =	strace s5  }
0x99: {  	_ =	strace $0x8FFFFFFF  }
0x9a: {  	s19 =	sld [smem:$0x3FDB];
	_ =	sdelay $0x1  }
0x9b: {  	s6 =	simm.s32 $_scs_section_size  }
0x9c: {  	s7 =	simm.s32 $_size__tile_overlayer_lowered;
	s8 =	simm.s32 $_tile_overlayer_lowered  }
0x9d: {  	s22 =	simm.s32 $0x1BFF;
	s21 =	sshll.u32 s8, $0x1;
	s5 =	sadd.s32 s6, s19  }
0x9e: {  	s9 =	simm.s32 $0x0;
	s20 =	sshll.u32 s7, $0x1;
	s7 =	sadd.s32 s21, s5  }
0x9f: {  	[timem:s9], [sflag:s22] =	dma.local [hbm:s7], s20  }
0xa0: {  	_ =	swait.ge [sflag:s22], s20  }
0xa1: {  	s6 =	ssub.s32 $0x0, s20;
	[sflag:s22] =	ssyncset.done $0x0  }
0xa2: {  	[sflag:s22] =	ssyncadd.s32 s6;
	_ =	sdelay $0x1  }
0xa3: {  	s23 =	simm.s32 $0x1B8B  }
0xa4: {  	_ =	swait.ge [sflag:s23], $0x1  }
0xa5: {  	[sflag:s23] =	ssyncset.done $0x0  }
0xa6: {  	s25 =	simm.s32 $0x1B8E;
	s24 =	sld [smem:$0x3FFE];
	[sflag:s23] =	ssyncadd.s32 $0xFFFFFFFF  }
0xa7: {  	s26 =	simm.s32 $execute0_lowered;
	[smem:$0x3FD2] =	sst s25  }
0xa8: {  	s7 =	sshll.u32 s26, $0x1;
	_ =	strace $0x80000046;
	[dreg:$0x1] =	wrdreg $0xFFFFFFFF  }
0xa9: {  	s28 =	simm.s32 $_size_execute0_lowered;
	s5 =	sadd.s32 s5, s7;
	[dreg:$0x0] =	wrdreg $0x0  }
0xaa: {  	s7 =	sshll.u32 s28, $0x1;
	[dreg:$0x2] =	wrdreg s5  }
0xab: {  	[dreg:$0x3] =	wrdreg s7  }
0xac: {  	[dreg:$0x4] =	wrdreg $0xC0  }
0xad: {  	_ =	task [dreg:s9], $0x5FFFF  }
0xae: {  	[dreg:$0x1] =	wrdreg $0xFFFFFFFF  }
0xaf: {  	[dreg:$0x0] =	wrdreg $0x60  }
0xb0: {  	[dreg:$0x2] =	wrdreg s2  }
0xb1: {  	[dreg:$0x3] =	wrdreg s18  }
0xb2: {  	[dreg:$0x4] =	wrdreg s4  }
0xb3: {  	[dreg:$0x5] =	wrdreg s24  }
0xb4: {  	[dreg:$0x6] =	wrdreg $0x9  }
0xb5: {  	_ =	task.clear_ibuf [dreg:s9], $0x7FFFF;
	_ =	strace $0x90000046  }
0xb6: {  	s29 =	simm.s32 $0x9;
	_ =	strace $0x80000048  }
0xb7: {  	_ =	swait.ge [sflag:s29], $0x1  }
0xb8: {  	[sflag:s29] =	ssyncadd.s32 $0xFFFFFFFF  }
0xb9: {  	_ =	strace $0x90000048  }
0xba: {  	_ =	sfence  }
0xbb: {  	s30 =	sld [smem:$0x0];
	_ =	sdelay $0x2  }
0xbc: {  	s31 =	sshll.u32 s1, $0xD;
	s1 =	sshrl.u32 s1, $0x2  }
0xbd: {  	s3 =	sand.u32 $0x4000, s31;
	s1 =	sadd.s32 s1, s30  }
0xbe: {  	s0 =	sor.u32 s3, s0;
	s1 =	sshll.u32 s1, $0x11  }
0xbf: {  	s0 =	sor.u32 s1, s0  }
0xc0: {  	s0 =	sadd.s32 $0x8F2B, s0  }
0xc1: {  	[sflag:s0] =	ssyncadd.remote.s32 $0x1  }
0xc2: {  	_ =	sfence.sel $0xFFFF  }
0xc3: {  	[dreg:$0x0] =	wrdreg $0xFFFFFFFF;
	(pc) =	sbr.abs _section_cstart, $3  }
0xc4: {  	[dreg:$0x1] =	wrdreg $0xFFFFFFFF  }
0xc5: {  	_ =	task.clear_ibuf [dreg:s9], $0x2FFFF;
	_ =	strace $0x9FFFFFFF  }
0xc6: {  	(tm) =	ssettm $0x7FFFFFFF  }
0xc7: {  	_ =	shalt  }
tec
execute0_lowered:
.L_overlay_start_1:
0x0: {  	(tag) =	ssettag $0x1  }
0x1: {  	s1 =	rddreg [dreg:$0x0]  }
0x2: {  	s2 =	rddreg [dreg:$0x1]  }
0x3: {  	s0 =	rddreg [dreg:$0x2]  }
0x4: {  	s3 =	rddreg [dreg:$0x3]  }
0x5: {  	s4 =	srdreg.scid;
	s5 =	stileid.u32  }
0x6: {  	s17 =	simm.s32 $0x800;
	s21 =	simm.s32 $0xC800;
	s20 =	simm.s32 $0x16000  }
0x7: {  	s22 =	simm.s32 $0x16800;
	s23 =	simm.s32 $0x17000;
	s24 =	simm.s32 $0x17800  }
0x8: {  	s28 =	simm.s32 $0x2;
	s29 =	simm.s32 $0x4;
	s30 =	simm.s32 $0x5  }
0x9: {  	s31 =	simm.s32 $0x3;
	s6 =	sand.u32 $0x1, s4;
	s4 =	simm.s32 $0x0  }
0xa: {  	s5 =	sshll.u32 s5, $0xB;
	s11 =	sadd.s32 $0x100, s2;
	s12 =	sadd.s32 $0x200, s2  }
0xb: {  	s14 =	sadd.s32 $0x2400, s3;
	s7 =	sshll.u32 s6, $0xA;
	[smem:$0x7FF] =	sst s4  }
0xc: {  	s8 =	ssub.s32 $0x2, s6;
	s6 =	sadd.s32 $0x1800, s3;
	s5 =	sor.u32 s7, s5  }
0xd: {  	_ =	strace $0x80000047;
	s10 =	sshrl.u32 s8, $0x1;
	s7 =	sshrl.u32 s5, $0x3  }
.Ltmp0:
0xe: {  	s8 =	ssub.s32 s8, s10;
	s10 =	sadd.s32 $0x200, s1;
	(pc) =	sbr.rel .LBB2_1-.Ltmp0, $4  }
0xf: {  	s9 =	sadd.s32 s7, s3;
	s0 =	sadd.s32 s0, s7;
	s26 =	smax.u32 s8, $0x1  }
0x10: {  	v2 =	vlaneseq.u32;
	s7 =	simm.s32 $0x0;
	[dreg:$0x5] =	wrdreg s0;
	s25 =	sadd.s32 $0x800, s9  }
0x11: {  	vm0 =	vmmov $0xffff;
	v1 =	vshrl.u32 v2, $0x3;
	s9 =	sadd.s32 $0x100, s1;
	[dreg:$0x7] =	wrdreg s26;
	s26 =	simm.s32 $0x1  }
0x12: {  	v0 =	vand.u32 $0x7, v2;
	v2 =	vor.u32 $0x8, v2;
	v1 =	vmul.u32 $0x8, v1;
	s0 =	simm.s32 $0x6;
	[dreg:$0x6] =	wrdreg s25;
	s25 =	simm.s32 $0x18000  }
.LBB2_8:
0x13: {  	_ =	swait.ge [sflag:s31], $0x6000  }
0x14: {  	[sflag:s31] =	ssyncset.done $0x0  }
0x15: {  	[sflag:s31] =	ssyncadd.s32 $0xFFFFA000  }
0x16: {  	_ =	swait.ge [sflag:s0], $0x6000  }
0x17: {  	s7 =	rddreg [dreg:$0x8]  }
0x18: {  	s3 =	rddreg [dreg:$0x7];
	s7 =	sadd.s32 $0x1, s7  }
0x19: {  	p0 =	sne.s32 s7, s3  }
.Ltmp1:
0x1a: {  	_ = 	snop;
	(pc) =	sbr.rel @!p0 .LBB2_9-.Ltmp1, $3  }
0x1b: {  	_ =	sdelay $0x1  }
0x1c: {  	[sflag:s0] =	ssyncset.done $0x0  }
0x1d: {  	[sflag:s0] =	ssyncadd.s32 $0xFFFFA000  }
.LBB2_1:
0x1e: {  	[dreg:$0x8] =	wrdreg s7  }
0x1f: {  	s3 =	rddreg [dreg:$0x5];
	s18 =	simm.s32 $0x7  }
0x20: {  	[tilespmem:s4], [sflag:$0x7] =	stream.linear.gather [hbm4b:s3+s4], $0x400, $0x38;
	[tilespmem:$0x18800] =	vst v63  }
0x21: {  	_ =	swait.ge [sflag:s18], $0x400  }
0x22: {  	[sflag:s18] =	ssyncset.done $0x0  }
0x23: {  	s8 =	simm.s32 $0x400;
	s19 =	rddreg [dreg:$0x6];
	[sflag:s18] =	ssyncadd.s32 $0xFFFFFC00  }
0x24: {  	[tilespmem:s8], [sflag:$0x7] =	stream.linear.gather [hbm4b:s19+s4], $0x400, $0x38;
	[tilespmem:$0x18800] =	vst v63  }
0x25: {  	_ =	swait.ge [sflag:s18], $0x400  }
0x26: {  	[sflag:s18] =	ssyncset.done $0x0  }
0x27: {  	[sflag:s18] =	ssyncadd.s32 $0xFFFFFC00  }
0x28: {  	v3 =	vld [tilespmem:$0x0];
	_ =	sdelay $0x4  }
0x29: {  	v4 =	vshrl.u32 v3, $0x3  }
0x2a: {  	v4 =	vmul.u32 $0x30, v4  }
0x2b: {  	v3 =	vand.u32 $0x7, v3  }
0x2c: {  	v3 =	vor.u32 v3, v4  }
0x2d: {  	v4 =	vperm.xlane v3, v0;
	_ =	sdelay $0x1  }
0x2e: {  	v4 =	vadd.s32 v1, v4;
	_ =	sdelay $0x3  }
0x2f: {  	v3 =	vperm.xlane v3, v2  }
0x30: {  	[tilespmem:s17], [sflag:$0x1] =	stream.indirect_vreg.gather [hbm4b:s1+s4], $0x80, v4, vm0, $0xb8;
	[tilespmem:$0x18800] =	vst v63  }
0x31: {  	s8 =	simm.s32 $0x1000;
	v3 =	vadd.s32 v1, v3  }
0x32: {  	[tilespmem:s8], [sflag:$0x1] =	stream.indirect_vreg.gather [hbm4b:s9+s4], $0x80, v4, vm0, $0xb8;
	[tilespmem:$0x18800] =	vst v63  }
0x33: {  	s13 =	simm.s32 $0x1800  }
0x34: {  	[tilespmem:s13], [sflag:$0x1] =	stream.indirect_vreg.gather [hbm4b:s10+s4], $0x80, v4, vm0, $0xb8;
	[tilespmem:$0x18800] =	vst v63  }
0x35: {  	s15 =	simm.s32 $0x2000  }
0x36: {  	[tilespmem:s15], [sflag:$0x1] =	stream.indirect_vreg.gather [hbm4b:s1+s4], $0x80, v3, vm0, $0xb8;
	[tilespmem:$0x18800] =	vst v63  }
0x37: {  	s16 =	simm.s32 $0x2800  }
0x38: {  	[tilespmem:s16], [sflag:$0x1] =	stream.indirect_vreg.gather [hbm4b:s9+s4], $0x80, v3, vm0, $0xb8;
	[tilespmem:$0x18800] =	vst v63  }
0x39: {  	s18 =	simm.s32 $0x3000  }
0x3a: {  	[tilespmem:s18], [sflag:$0x1] =	stream.indirect_vreg.gather [hbm4b:s10+s4], $0x80, v3, vm0, $0xb8;
	[tilespmem:$0x18800] =	vst v63  }
0x3b: {  	v3 =	vld [tilespmem:$0x10];
	_ =	sdelay $0x4  }
0x3c: {  	v57 =	vshrl.u32 v3, $0x3  }
0x3d: {  	v4 =	vmul.u32 $0x30, v57  }
0x3e: {  	v3 =	vand.u32 $0x7, v3  }
0x3f: {  	v3 =	vor.u32 v3, v4  }
0x40: {  	v4 =	vperm.xlane v3, v0;
	_ =	sdelay $0x1  }
0x41: {  	v4 =	vadd.s32 v1, v4;
	_ =	sdelay $0x3  }
0x42: {  	s19 =	simm.s32 $0x3800;
	v3 =	vperm.xlane v3, v2  }
0x43: {  	[tilespmem:s19], [sflag:$0x1] =	stream.indirect_vreg.gather [hbm4b:s1+s4], $0x80, v4, vm0, $0xb8;
	[tilespmem:$0x18800] =	vst v63  }
0x44: {  	s7 =	simm.s32 $0x4000;
	v3 =	vadd.s32 v1, v3  }
0x45: {  	[tilespmem:s7], [sflag:$0x1] =	stream.indirect_vreg.gather [hbm4b:s9+s4], $0x80, v4, vm0, $0xb8;
	[tilespmem:$0x18800] =	vst v63  }
0x46: {  	s8 =	simm.s32 $0x4800  }
0x47: {  	[tilespmem:s8], [sflag:$0x1] =	stream.indirect_vreg.gather [hbm4b:s10+s4], $0x80, v4, vm0, $0xb8;
	[tilespmem:$0x18800] =	vst v63  }
0x48: {  	s13 =	simm.s32 $0x5000  }
0x49: {  	[tilespmem:s13], [sflag:$0x1] =	stream.indirect_vreg.gather [hbm4b:s1+s4], $0x80, v3, vm0, $0xb8;
	[tilespmem:$0x18800] =	vst v63  }
0x4a: {  	s15 =	simm.s32 $0x5800  }
0x4b: {  	[tilespmem:s15], [sflag:$0x1] =	stream.indirect_vreg.gather [hbm4b:s9+s4], $0x80, v3, vm0, $0xb8;
	[tilespmem:$0x18800] =	vst v63  }
0x4c: {  	s16 =	simm.s32 $0x6000  }
0x4d: {  	[tilespmem:s16], [sflag:$0x1] =	stream.indirect_vreg.gather [hbm4b:s10+s4], $0x80, v3, vm0, $0xb8;
	[tilespmem:$0x18800] =	vst v63  }
0x4e: {  	v3 =	vld [tilespmem:$0x400];
	_ =	sdelay $0x4  }
0x4f: {  	v58 =	vshrl.u32 v3, $0x3  }
0x50: {  	v4 =	vmul.u32 $0x30, v58  }
0x51: {  	v3 =	vand.u32 $0x7, v3  }
0x52: {  	v3 =	vor.u32 v3, v4  }
0x53: {  	v4 =	vperm.xlane v3, v0;
	_ =	sdelay $0x1  }
0x54: {  	v4 =	vadd.s32 v1, v4;
	_ =	sdelay $0x3  }
0x55: {  	s18 =	simm.s32 $0x6800;
	v3 =	vperm.xlane v3, v2  }
0x56: {  	[tilespmem:s18], [sflag:$0x2] =	stream.indirect_vreg.gather [hbm4b:s2+s4], $0x80, v4, vm0, $0xb8;
	[tilespmem:$0x18800] =	vst v63  }
0x57: {  	s19 =	simm.s32 $0x7000;
	v3 =	vadd.s32 v1, v3  }
0x58: {  	[tilespmem:s19], [sflag:$0x2] =	stream.indirect_vreg.gather [hbm4b:s11+s4], $0x80, v4, vm0, $0xb8;
	[tilespmem:$0x18800] =	vst v63  }
0x59: {  	s7 =	simm.s32 $0x7800  }
0x5a: {  	[tilespmem:s7], [sflag:$0x2] =	stream.indirect_vreg.gather [hbm4b:s12+s4], $0x80, v4, vm0, $0xb8;
	[tilespmem:$0x18800] =	vst v63  }
0x5b: {  	s8 =	simm.s32 $0x8000  }
0x5c: {  	[tilespmem:s8], [sflag:$0x2] =	stream.indirect_vreg.gather [hbm4b:s2+s4], $0x80, v3, vm0, $0xb8;
	[tilespmem:$0x18800] =	vst v63  }
0x5d: {  	s13 =	simm.s32 $0x8800  }
0x5e: {  	[tilespmem:s13], [sflag:$0x2] =	stream.indirect_vreg.gather [hbm4b:s11+s4], $0x80, v3, vm0, $0xb8;
	[tilespmem:$0x18800] =	vst v63  }
0x5f: {  	s15 =	simm.s32 $0x9000  }
0x60: {  	[tilespmem:s15], [sflag:$0x2] =	stream.indirect_vreg.gather [hbm4b:s12+s4], $0x80, v3, vm0, $0xb8;
	[tilespmem:$0x18800] =	vst v63  }
0x61: {  	v3 =	vld [tilespmem:$0x410];
	_ =	sdelay $0x4  }
0x62: {  	v59 =	vshrl.u32 v3, $0x3  }
0x63: {  	v4 =	vmul.u32 $0x30, v59  }
0x64: {  	v3 =	vand.u32 $0x7, v3  }
0x65: {  	v3 =	vor.u32 v3, v4  }
0x66: {  	v4 =	vperm.xlane v3, v0;
	_ =	sdelay $0x1  }
0x67: {  	v4 =	vadd.s32 v1, v4;
	_ =	sdelay $0x3  }
0x68: {  	s16 =	simm.s32 $0x9800;
	v3 =	vperm.xlane v3, v2  }
0x69: {  	[tilespmem:s16], [sflag:$0x2] =	stream.indirect_vreg.gather [hbm4b:s2+s4], $0x80, v4, vm0, $0xb8;
	[tilespmem:$0x18800] =	vst v63  }
0x6a: {  	s18 =	simm.s32 $0xA000;
	v3 =	vadd.s32 v1, v3  }
0x6b: {  	[tilespmem:s18], [sflag:$0x2] =	stream.indirect_vreg.gather [hbm4b:s11+s4], $0x80, v4, vm0, $0xb8;
	[tilespmem:$0x18800] =	vst v63  }
0x6c: {  	s19 =	simm.s32 $0xA800  }
0x6d: {  	[tilespmem:s19], [sflag:$0x2] =	stream.indirect_vreg.gather [hbm4b:s12+s4], $0x80, v4, vm0, $0xb8;
	[tilespmem:$0x18800] =	vst v63  }
0x6e: {  	s7 =	simm.s32 $0xB000  }
0x6f: {  	[tilespmem:s7], [sflag:$0x2] =	stream.indirect_vreg.gather [hbm4b:s2+s4], $0x80, v3, vm0, $0xb8;
	[tilespmem:$0x18800] =	vst v63  }
0x70: {  	s8 =	simm.s32 $0xB800  }
0x71: {  	[tilespmem:s8], [sflag:$0x2] =	stream.indirect_vreg.gather [hbm4b:s11+s4], $0x80, v3, vm0, $0xb8;
	[tilespmem:$0x18800] =	vst v63  }
0x72: {  	s13 =	simm.s32 $0xC000  }
0x73: {  	[tilespmem:s13], [sflag:$0x2] =	stream.indirect_vreg.gather [hbm4b:s12+s4], $0x80, v3, vm0, $0xb8;
	[tilespmem:$0x18800] =	vst v63  }
0x74: {  	v3 =	vld [tilespmem:$0x20];
	_ =	sdelay $0x4  }
0x75: {  	v60 =	vshrl.u32 v3, $0x3  }
0x76: {  	v4 =	vmul.u32 $0x30, v60  }
0x77: {  	v3 =	vand.u32 $0x7, v3  }
0x78: {  	v3 =	vor.u32 v3, v4  }
0x79: {  	v4 =	vperm.xlane v3, v0;
	_ =	sdelay $0x1  }
0x7a: {  	v4 =	vadd.s32 v1, v4;
	_ =	sdelay $0x3  }
0x7b: {  	v3 =	vperm.xlane v3, v2  }
0x7c: {  	[tilespmem:s21], [sflag:$0x4] =	stream.indirect_vreg.gather [hbm4b:s1+s4], $0x80, v4, vm0, $0xb8;
	[tilespmem:$0x18800] =	vst v63  }
0x7d: {  	s15 =	simm.s32 $0xD000;
	v3 =	vadd.s32 v1, v3  }
0x7e: {  	[tilespmem:s15], [sflag:$0x4] =	stream.indirect_vreg.gather [hbm4b:s9+s4], $0x80, v4, vm0, $0xb8;
	[tilespmem:$0x18800] =	vst v63  }
0x7f: {  	s16 =	simm.s32 $0xD800  }
0x80: {  	[tilespmem:s16], [sflag:$0x4] =	stream.indirect_vreg.gather [hbm4b:s10+s4], $0x80, v4, vm0, $0xb8;
	[tilespmem:$0x18800] =	vst v63  }
0x81: {  	s18 =	simm.s32 $0xE000  }
0x82: {  	[tilespmem:s18], [sflag:$0x4] =	stream.indirect_vreg.gather [hbm4b:s1+s4], $0x80, v3, vm0, $0xb8;
	[tilespmem:$0x18800] =	vst v63  }
0x83: {  	s19 =	simm.s32 $0xE800  }
0x84: {  	[tilespmem:s19], [sflag:$0x4] =	stream.indirect_vreg.gather [hbm4b:s9+s4], $0x80, v3, vm0, $0xb8;
	[tilespmem:$0x18800] =	vst v63  }
0x85: {  	s7 =	simm.s32 $0xF000  }
0x86: {  	[tilespmem:s7], [sflag:$0x4] =	stream.indirect_vreg.gather [hbm4b:s10+s4], $0x80, v3, vm0, $0xb8;
	[tilespmem:$0x18800] =	vst v63  }
0x87: {  	v3 =	vld [tilespmem:$0x30];
	_ =	sdelay $0x4  }
0x88: {  	v61 =	vshrl.u32 v3, $0x3  }
0x89: {  	v4 =	vmul.u32 $0x30, v61  }
0x8a: {  	v3 =	vand.u32 $0x7, v3  }
0x8b: {  	v3 =	vor.u32 v3, v4  }
0x8c: {  	v4 =	vperm.xlane v3, v0;
	_ =	sdelay $0x1  }
0x8d: {  	v4 =	vadd.s32 v1, v4;
	_ =	sdelay $0x3  }
0x8e: {  	s8 =	simm.s32 $0xF800;
	v3 =	vperm.xlane v3, v2  }
0x8f: {  	[tilespmem:s8], [sflag:$0x4] =	stream.indirect_vreg.gather [hbm4b:s1+s4], $0x80, v4, vm0, $0xb8;
	[tilespmem:$0x18800] =	vst v63  }
0x90: {  	s13 =	simm.s32 $0x10000;
	v3 =	vadd.s32 v1, v3  }
0x91: {  	[tilespmem:s13], [sflag:$0x4] =	stream.indirect_vreg.gather [hbm4b:s9+s4], $0x80, v4, vm0, $0xb8;
	[tilespmem:$0x18800] =	vst v63  }
0x92: {  	s15 =	simm.s32 $0x10800  }
0x93: {  	[tilespmem:s15], [sflag:$0x4] =	stream.indirect_vreg.gather [hbm4b:s10+s4], $0x80, v4, vm0, $0xb8;
	[tilespmem:$0x18800] =	vst v63  }
0x94: {  	s16 =	simm.s32 $0x11000  }
0x95: {  	[tilespmem:s16], [sflag:$0x4] =	stream.indirect_vreg.gather [hbm4b:s1+s4], $0x80, v3, vm0, $0xb8;
	[tilespmem:$0x18800] =	vst v63  }
0x96: {  	s18 =	simm.s32 $0x11800  }
0x97: {  	[tilespmem:s18], [sflag:$0x4] =	stream.indirect_vreg.gather [hbm4b:s9+s4], $0x80, v3, vm0, $0xb8;
	[tilespmem:$0x18800] =	vst v63  }
0x98: {  	s19 =	simm.s32 $0x12000  }
0x99: {  	[tilespmem:s19], [sflag:$0x4] =	stream.indirect_vreg.gather [hbm4b:s10+s4], $0x80, v3, vm0, $0xb8;
	[tilespmem:$0x18800] =	vst v63  }
0x9a: {  	v3 =	vld [tilespmem:$0x420];
	_ =	sdelay $0x4  }
0x9b: {  	v62 =	vshrl.u32 v3, $0x3  }
0x9c: {  	v4 =	vmul.u32 $0x30, v62  }
0x9d: {  	v3 =	vand.u32 $0x7, v3  }
0x9e: {  	v3 =	vor.u32 v3, v4  }
0x9f: {  	v4 =	vperm.xlane v3, v0;
	_ =	sdelay $0x1  }
0xa0: {  	v4 =	vadd.s32 v1, v4;
	_ =	sdelay $0x3  }
0xa1: {  	s7 =	simm.s32 $0x12800;
	v3 =	vperm.xlane v3, v2  }
0xa2: {  	[tilespmem:s7], [sflag:$0x5] =	stream.indirect_vreg.gather [hbm4b:s2+s4], $0x80, v4, vm0, $0xb8;
	[tilespmem:$0x18800] =	vst v63  }
0xa3: {  	s8 =	simm.s32 $0x13000;
	v3 =	vadd.s32 v1, v3  }
0xa4: {  	[tilespmem:s8], [sflag:$0x5] =	stream.indirect_vreg.gather [hbm4b:s11+s4], $0x80, v4, vm0, $0xb8;
	[tilespmem:$0x18800] =	vst v63  }
0xa5: {  	s13 =	simm.s32 $0x13800  }
0xa6: {  	[tilespmem:s13], [sflag:$0x5] =	stream.indirect_vreg.gather [hbm4b:s12+s4], $0x80, v4, vm0, $0xb8;
	[tilespmem:$0x18800] =	vst v63  }
0xa7: {  	s15 =	simm.s32 $0x14000  }
0xa8: {  	[tilespmem:s15], [sflag:$0x5] =	stream.indirect_vreg.gather [hbm4b:s2+s4], $0x80, v3, vm0, $0xb8;
	[tilespmem:$0x18800] =	vst v63  }
0xa9: {  	s16 =	simm.s32 $0x14800  }
0xaa: {  	[tilespmem:s16], [sflag:$0x5] =	stream.indirect_vreg.gather [hbm4b:s11+s4], $0x80, v3, vm0, $0xb8;
	[tilespmem:$0x18800] =	vst v63  }
0xab: {  	s18 =	simm.s32 $0x15000  }
0xac: {  	[tilespmem:s18], [sflag:$0x5] =	stream.indirect_vreg.gather [hbm4b:s12+s4], $0x80, v3, vm0, $0xb8;
	[tilespmem:$0x18800] =	vst v63  }
0xad: {  	v3 =	vld [tilespmem:$0x430];
	_ =	sdelay $0x4  }
0xae: {  	v63 =	vshrl.u32 v3, $0x3  }
0xaf: {  	v4 =	vmul.u32 $0x30, v63  }
0xb0: {  	v3 =	vand.u32 $0x7, v3  }
0xb1: {  	v3 =	vor.u32 v3, v4  }
0xb2: {  	v4 =	vperm.xlane v3, v0;
	_ =	sdelay $0x1  }
0xb3: {  	v4 =	vadd.s32 v1, v4;
	_ =	sdelay $0x3  }
0xb4: {  	s19 =	simm.s32 $0x15800;
	v3 =	vperm.xlane v3, v2  }
0xb5: {  	[tilespmem:s19], [sflag:$0x5] =	stream.indirect_vreg.gather [hbm4b:s2+s4], $0x80, v4, vm0, $0xb8;
	[tilespmem:$0x18800] =	vst v63  }
0xb6: {  	v3 =	vadd.s32 v1, v3  }
0xb7: {  	[tilespmem:s20], [sflag:$0x5] =	stream.indirect_vreg.gather [hbm4b:s11+s4], $0x80, v4, vm0, $0xb8;
	[tilespmem:$0x18800] =	vst v63  }
0xb8: {  	_ = 	snop  }
0xb9: {  	[tilespmem:s22], [sflag:$0x5] =	stream.indirect_vreg.gather [hbm4b:s12+s4], $0x80, v4, vm0, $0xb8;
	[tilespmem:$0x18800] =	vst v63  }
0xba: {  	_ = 	snop  }
0xbb: {  	[tilespmem:s23], [sflag:$0x5] =	stream.indirect_vreg.gather [hbm4b:s2+s4], $0x80, v3, vm0, $0xb8;
	[tilespmem:$0x18800] =	vst v63  }
0xbc: {  	_ = 	snop  }
0xbd: {  	[tilespmem:s24], [sflag:$0x5] =	stream.indirect_vreg.gather [hbm4b:s11+s4], $0x80, v3, vm0, $0xb8;
	[tilespmem:$0x18800] =	vst v63  }
0xbe: {  	s3 =	simm.s32 $0x0  }
0xbf: {  	[tilespmem:s25], [sflag:$0x5] =	stream.indirect_vreg.gather [hbm4b:s12+s4], $0x80, v3, vm0, $0xb8;
	[tilespmem:$0x18800] =	vst v63  }
.LBB2_2:
0xc0: {  	_ =	swait.ge [sflag:s26], $0x6000  }
0xc1: {  	[sflag:s26] =	ssyncset.done $0x0  }
0xc2: {  	s8 =	simm.s32 $0x0;
	[sflag:s26] =	ssyncadd.s32 $0xFFFFA000  }
0xc3: {  	s7 =	simm.s32 $0x0;
	s8 =	smul.u32 $0x1800, s8;
	_ =	swait.ge [sflag:s28], $0x6000  }
0xc4: {  	s13 =	sand.u32 $0x380, s7;
	[sflag:s28] =	ssyncset.done $0x0  }
0xc5: {  	s8 =	sor.u32 s13, s8;
	[sflag:s28] =	ssyncadd.s32 $0xFFFFA000  }
0xc6: {  	v3 =	vld [tilespmem:s8+$0x7C70]  }
0xc7: {  	v6 =	vld [tilespmem:s8+$0x6800]  }
0xc8: {  	v7 =	vld [tilespmem:s8+$0x6810]  }
0xc9: {  	v8 =	vld [tilespmem:s8+$0x6820]  }
0xca: {  	v9 =	vld [tilespmem:s8+$0x6830]  }
0xcb: {  	v10 =	vld [tilespmem:s8+$0x6840]  }
0xcc: {  	v11 =	vld [tilespmem:s8+$0x6850]  }
0xcd: {  	v12 =	vld [tilespmem:s8+$0x6860]  }
0xce: {  	v13 =	vld [tilespmem:s8+$0x6870]  }
0xcf: {  	v14 =	vld [tilespmem:s8+$0x6C00]  }
0xd0: {  	v15 =	vld [tilespmem:s8+$0x6C10]  }
0xd1: {  	v16 =	vld [tilespmem:s8+$0x6C20]  }
0xd2: {  	v17 =	vld [tilespmem:s8+$0x6C30]  }
0xd3: {  	v18 =	vld [tilespmem:s8+$0x6C40]  }
0xd4: {  	v19 =	vld [tilespmem:s8+$0x6C50]  }
0xd5: {  	v20 =	vld [tilespmem:s8+$0x6C60]  }
0xd6: {  	v21 =	vld [tilespmem:s8+$0x6C70]  }
0xd7: {  	v22 =	vld [tilespmem:s8+$0x7000]  }
0xd8: {  	v23 =	vld [tilespmem:s8+$0x7010]  }
0xd9: {  	v24 =	vld [tilespmem:s8+$0x7020]  }
0xda: {  	v25 =	vld [tilespmem:s8+$0x7030]  }
0xdb: {  	v26 =	vld [tilespmem:s8+$0x7040]  }
0xdc: {  	v27 =	vld [tilespmem:s8+$0x7050]  }
0xdd: {  	v28 =	vld [tilespmem:s8+$0x7060]  }
0xde: {  	v29 =	vld [tilespmem:s8+$0x7070]  }
0xdf: {  	v30 =	vld [tilespmem:s8+$0x7400]  }
0xe0: {  	v31 =	vld [tilespmem:s8+$0x7410]  }
0xe1: {  	v32 =	vld [tilespmem:s8+$0x7420]  }
0xe2: {  	v33 =	vld [tilespmem:s8+$0x7430]  }
0xe3: {  	v34 =	vld [tilespmem:s8+$0x7440]  }
0xe4: {  	v35 =	vld [tilespmem:s8+$0x7450]  }
0xe5: {  	v36 =	vld [tilespmem:s8+$0x7460]  }
0xe6: {  	v37 =	vld [tilespmem:s8+$0x7470]  }
0xe7: {  	v38 =	vld [tilespmem:s8+$0x7800]  }
0xe8: {  	v39 =	vld [tilespmem:s8+$0x7810]  }
0xe9: {  	v40 =	vld [tilespmem:s8+$0x7820]  }
0xea: {  	v41 =	vld [tilespmem:s8+$0x7830]  }
0xeb: {  	v42 =	vld [tilespmem:s8+$0x7840]  }
0xec: {  	v43 =	vld [tilespmem:s8+$0x7850]  }
0xed: {  	v44 =	vld [tilespmem:s8+$0x7860]  }
0xee: {  	v45 =	vld [tilespmem:s8+$0x7870]  }
0xef: {  	v46 =	vld [tilespmem:s8+$0x7C00]  }
0xf0: {  	v47 =	vld [tilespmem:s8+$0x7C10]  }
0xf1: {  	v48 =	vld [tilespmem:s8+$0x7C20]  }
0xf2: {  	v49 =	vld [tilespmem:s8+$0x7C30]  }
0xf3: {  	v5 =	vld [tilespmem:s8+$0x7C40]  }
0xf4: {  	v4 =	vld [tilespmem:s8+$0x7C50]  }
0xf5: {  	[tilespmem:s8+$0x1C70] =	vst.add.f32.msk $0xffff, v3  }
0xf6: {  	v3 =	vld [tilespmem:s8+$0x7C60]  }
0xf7: {  	[tilespmem:s8+$0x800] =	vst.add.f32.msk $0xffff, v6  }
0xf8: {  	[tilespmem:s8+$0x810] =	vst.add.f32.msk $0xffff, v7  }
0xf9: {  	[tilespmem:s8+$0x820] =	vst.add.f32.msk $0xffff, v8  }
0xfa: {  	[tilespmem:s8+$0x830] =	vst.add.f32.msk $0xffff, v9  }
0xfb: {  	[tilespmem:s8+$0x840] =	vst.add.f32.msk $0xffff, v10  }
0xfc: {  	[tilespmem:s8+$0x850] =	vst.add.f32.msk $0xffff, v11  }
0xfd: {  	[tilespmem:s8+$0x860] =	vst.add.f32.msk $0xffff, v12  }
0xfe: {  	[tilespmem:s8+$0x870] =	vst.add.f32.msk $0xffff, v13  }
0xff: {  	[tilespmem:s8+$0xC00] =	vst.add.f32.msk $0xffff, v14  }
0x100: {  	[tilespmem:s8+$0xC10] =	vst.add.f32.msk $0xffff, v15  }
0x101: {  	[tilespmem:s8+$0xC20] =	vst.add.f32.msk $0xffff, v16  }
0x102: {  	[tilespmem:s8+$0xC30] =	vst.add.f32.msk $0xffff, v17  }
0x103: {  	[tilespmem:s8+$0xC40] =	vst.add.f32.msk $0xffff, v18  }
0x104: {  	[tilespmem:s8+$0xC50] =	vst.add.f32.msk $0xffff, v19  }
0x105: {  	[tilespmem:s8+$0xC60] =	vst.add.f32.msk $0xffff, v20  }
0x106: {  	[tilespmem:s8+$0xC70] =	vst.add.f32.msk $0xffff, v21  }
0x107: {  	[tilespmem:s8+$0x1000] =	vst.add.f32.msk $0xffff, v22  }
0x108: {  	[tilespmem:s8+$0x1010] =	vst.add.f32.msk $0xffff, v23  }
0x109: {  	[tilespmem:s8+$0x1020] =	vst.add.f32.msk $0xffff, v24  }
0x10a: {  	[tilespmem:s8+$0x1030] =	vst.add.f32.msk $0xffff, v25  }
0x10b: {  	[tilespmem:s8+$0x1040] =	vst.add.f32.msk $0xffff, v26  }
0x10c: {  	[tilespmem:s8+$0x1050] =	vst.add.f32.msk $0xffff, v27  }
0x10d: {  	[tilespmem:s8+$0x1060] =	vst.add.f32.msk $0xffff, v28  }
0x10e: {  	[tilespmem:s8+$0x1070] =	vst.add.f32.msk $0xffff, v29  }
0x10f: {  	[tilespmem:s8+$0x1400] =	vst.add.f32.msk $0xffff, v30  }
0x110: {  	[tilespmem:s8+$0x1410] =	vst.add.f32.msk $0xffff, v31  }
0x111: {  	[tilespmem:s8+$0x1420] =	vst.add.f32.msk $0xffff, v32  }
0x112: {  	[tilespmem:s8+$0x1430] =	vst.add.f32.msk $0xffff, v33  }
0x113: {  	[tilespmem:s8+$0x1440] =	vst.add.f32.msk $0xffff, v34  }
0x114: {  	[tilespmem:s8+$0x1450] =	vst.add.f32.msk $0xffff, v35  }
0x115: {  	[tilespmem:s8+$0x1460] =	vst.add.f32.msk $0xffff, v36  }
0x116: {  	[tilespmem:s8+$0x1470] =	vst.add.f32.msk $0xffff, v37  }
0x117: {  	[tilespmem:s8+$0x1800] =	vst.add.f32.msk $0xffff, v38  }
0x118: {  	[tilespmem:s8+$0x1810] =	vst.add.f32.msk $0xffff, v39  }
0x119: {  	[tilespmem:s8+$0x1820] =	vst.add.f32.msk $0xffff, v40  }
0x11a: {  	[tilespmem:s8+$0x1830] =	vst.add.f32.msk $0xffff, v41  }
0x11b: {  	[tilespmem:s8+$0x1840] =	vst.add.f32.msk $0xffff, v42  }
0x11c: {  	[tilespmem:s8+$0x1850] =	vst.add.f32.msk $0xffff, v43  }
0x11d: {  	[tilespmem:s8+$0x1860] =	vst.add.f32.msk $0xffff, v44  }
0x11e: {  	[tilespmem:s8+$0x1870] =	vst.add.f32.msk $0xffff, v45  }
0x11f: {  	[tilespmem:s8+$0x1C00] =	vst.add.f32.msk $0xffff, v46  }
0x120: {  	[tilespmem:s8+$0x1C10] =	vst.add.f32.msk $0xffff, v47  }
0x121: {  	[tilespmem:s8+$0x1C20] =	vst.add.f32.msk $0xffff, v48  }
0x122: {  	s15 =	simm.s32 $0x0;
	s13 =	simm.s32 $0x2;
	[tilespmem:s8+$0x1C30] =	vst.add.f32.msk $0xffff, v49  }
.LBB2_3:
0x123: {  	p0 =	sne.s32 s13, $0x1F;
	s15 =	smul.u32 $0x1800, s15;
	[tilespmem:s8+$0x1C40] =	vst.add.f32.msk $0xffff, v5;
	s7 =	sadd.s32 $0x80, s7  }
0x124: {  	s16 =	sand.u32 $0x380, s7;
	[tilespmem:s8+$0x1C50] =	vst.add.f32.msk $0xffff, v4  }
0x125: {  	[tilespmem:s8+$0x1C60] =	vst.add.f32.msk $0xffff, v3;
	s8 =	sor.u32 s16, s15  }
0x126: {  	v3 =	vld [tilespmem:s8+$0x7C70]  }
0x127: {  	v6 =	vld [tilespmem:s8+$0x6800]  }
0x128: {  	v7 =	vld [tilespmem:s8+$0x6810]  }
0x129: {  	v8 =	vld [tilespmem:s8+$0x6820]  }
0x12a: {  	v9 =	vld [tilespmem:s8+$0x6830]  }
0x12b: {  	[tilespmem:s8+$0x1C70] =	vst.add.f32.msk $0xffff, v3  }
0x12c: {  	v10 =	vld [tilespmem:s8+$0x6840]  }
0x12d: {  	v11 =	vld [tilespmem:s8+$0x6850]  }
0x12e: {  	v12 =	vld [tilespmem:s8+$0x6860]  }
0x12f: {  	v13 =	vld [tilespmem:s8+$0x6870]  }
0x130: {  	v14 =	vld [tilespmem:s8+$0x6C00]  }
0x131: {  	v15 =	vld [tilespmem:s8+$0x6C10]  }
0x132: {  	v16 =	vld [tilespmem:s8+$0x6C20]  }
0x133: {  	v17 =	vld [tilespmem:s8+$0x6C30]  }
0x134: {  	v18 =	vld [tilespmem:s8+$0x6C40]  }
0x135: {  	v19 =	vld [tilespmem:s8+$0x6C50]  }
0x136: {  	v20 =	vld [tilespmem:s8+$0x6C60]  }
0x137: {  	v21 =	vld [tilespmem:s8+$0x6C70]  }
0x138: {  	v22 =	vld [tilespmem:s8+$0x7000]  }
0x139: {  	v23 =	vld [tilespmem:s8+$0x7010]  }
0x13a: {  	v24 =	vld [tilespmem:s8+$0x7020]  }
0x13b: {  	v25 =	vld [tilespmem:s8+$0x7030]  }
0x13c: {  	v26 =	vld [tilespmem:s8+$0x7040]  }
0x13d: {  	v27 =	vld [tilespmem:s8+$0x7050]  }
0x13e: {  	v28 =	vld [tilespmem:s8+$0x7060]  }
0x13f: {  	v29 =	vld [tilespmem:s8+$0x7070]  }
0x140: {  	v30 =	vld [tilespmem:s8+$0x7400]  }
0x141: {  	v31 =	vld [tilespmem:s8+$0x7410]  }
0x142: {  	v32 =	vld [tilespmem:s8+$0x7420]  }
0x143: {  	v33 =	vld [tilespmem:s8+$0x7430]  }
0x144: {  	v34 =	vld [tilespmem:s8+$0x7440]  }
0x145: {  	v35 =	vld [tilespmem:s8+$0x7450]  }
0x146: {  	v36 =	vld [tilespmem:s8+$0x7460]  }
0x147: {  	v37 =	vld [tilespmem:s8+$0x7470]  }
0x148: {  	v38 =	vld [tilespmem:s8+$0x7800]  }
0x149: {  	v39 =	vld [tilespmem:s8+$0x7810]  }
0x14a: {  	v40 =	vld [tilespmem:s8+$0x7820]  }
0x14b: {  	v41 =	vld [tilespmem:s8+$0x7830]  }
0x14c: {  	v42 =	vld [tilespmem:s8+$0x7840]  }
0x14d: {  	v43 =	vld [tilespmem:s8+$0x7850]  }
0x14e: {  	v44 =	vld [tilespmem:s8+$0x7860]  }
0x14f: {  	v45 =	vld [tilespmem:s8+$0x7870]  }
0x150: {  	v46 =	vld [tilespmem:s8+$0x7C00]  }
0x151: {  	v47 =	vld [tilespmem:s8+$0x7C10]  }
0x152: {  	v48 =	vld [tilespmem:s8+$0x7C20]  }
0x153: {  	v49 =	vld [tilespmem:s8+$0x7C30]  }
0x154: {  	v5 =	vld [tilespmem:s8+$0x7C40]  }
0x155: {  	v4 =	vld [tilespmem:s8+$0x7C50]  }
0x156: {  	v3 =	vld [tilespmem:s8+$0x7C60]  }
0x157: {  	[tilespmem:s8+$0x800] =	vst.add.f32.msk $0xffff, v6  }
0x158: {  	[tilespmem:s8+$0x810] =	vst.add.f32.msk $0xffff, v7  }
0x159: {  	[tilespmem:s8+$0x820] =	vst.add.f32.msk $0xffff, v8  }
0x15a: {  	[tilespmem:s8+$0x830] =	vst.add.f32.msk $0xffff, v9  }
0x15b: {  	[tilespmem:s8+$0x840] =	vst.add.f32.msk $0xffff, v10  }
0x15c: {  	[tilespmem:s8+$0x850] =	vst.add.f32.msk $0xffff, v11  }
0x15d: {  	[tilespmem:s8+$0x860] =	vst.add.f32.msk $0xffff, v12  }
0x15e: {  	[tilespmem:s8+$0x870] =	vst.add.f32.msk $0xffff, v13  }
0x15f: {  	[tilespmem:s8+$0xC00] =	vst.add.f32.msk $0xffff, v14  }
0x160: {  	[tilespmem:s8+$0xC10] =	vst.add.f32.msk $0xffff, v15  }
0x161: {  	[tilespmem:s8+$0xC20] =	vst.add.f32.msk $0xffff, v16  }
0x162: {  	[tilespmem:s8+$0xC30] =	vst.add.f32.msk $0xffff, v17  }
0x163: {  	[tilespmem:s8+$0xC40] =	vst.add.f32.msk $0xffff, v18  }
0x164: {  	[tilespmem:s8+$0xC50] =	vst.add.f32.msk $0xffff, v19  }
0x165: {  	[tilespmem:s8+$0xC60] =	vst.add.f32.msk $0xffff, v20  }
0x166: {  	[tilespmem:s8+$0xC70] =	vst.add.f32.msk $0xffff, v21  }
0x167: {  	[tilespmem:s8+$0x1000] =	vst.add.f32.msk $0xffff, v22  }
0x168: {  	[tilespmem:s8+$0x1010] =	vst.add.f32.msk $0xffff, v23  }
0x169: {  	[tilespmem:s8+$0x1020] =	vst.add.f32.msk $0xffff, v24  }
0x16a: {  	[tilespmem:s8+$0x1030] =	vst.add.f32.msk $0xffff, v25  }
0x16b: {  	[tilespmem:s8+$0x1040] =	vst.add.f32.msk $0xffff, v26  }
0x16c: {  	[tilespmem:s8+$0x1050] =	vst.add.f32.msk $0xffff, v27  }
0x16d: {  	[tilespmem:s8+$0x1060] =	vst.add.f32.msk $0xffff, v28  }
0x16e: {  	[tilespmem:s8+$0x1070] =	vst.add.f32.msk $0xffff, v29  }
0x16f: {  	[tilespmem:s8+$0x1400] =	vst.add.f32.msk $0xffff, v30  }
0x170: {  	[tilespmem:s8+$0x1410] =	vst.add.f32.msk $0xffff, v31  }
0x171: {  	[tilespmem:s8+$0x1420] =	vst.add.f32.msk $0xffff, v32  }
0x172: {  	[tilespmem:s8+$0x1430] =	vst.add.f32.msk $0xffff, v33  }
0x173: {  	[tilespmem:s8+$0x1440] =	vst.add.f32.msk $0xffff, v34  }
0x174: {  	[tilespmem:s8+$0x1450] =	vst.add.f32.msk $0xffff, v35  }
0x175: {  	[tilespmem:s8+$0x1460] =	vst.add.f32.msk $0xffff, v36  }
0x176: {  	[tilespmem:s8+$0x1470] =	vst.add.f32.msk $0xffff, v37  }
0x177: {  	[tilespmem:s8+$0x1800] =	vst.add.f32.msk $0xffff, v38  }
0x178: {  	[tilespmem:s8+$0x1810] =	vst.add.f32.msk $0xffff, v39  }
0x179: {  	[tilespmem:s8+$0x1820] =	vst.add.f32.msk $0xffff, v40  }
0x17a: {  	[tilespmem:s8+$0x1830] =	vst.add.f32.msk $0xffff, v41  }
0x17b: {  	[tilespmem:s8+$0x1840] =	vst.add.f32.msk $0xffff, v42  }
0x17c: {  	[tilespmem:s8+$0x1850] =	vst.add.f32.msk $0xffff, v43  }
0x17d: {  	[tilespmem:s8+$0x1860] =	vst.add.f32.msk $0xffff, v44  }
.Ltmp2:
0x17e: {  	[tilespmem:s8+$0x1870] =	vst.add.f32.msk $0xffff, v45;
	(pc) =	sbr.rel @p0 .LBB2_3-.Ltmp2, $4  }
0x17f: {  	[tilespmem:s8+$0x1C00] =	vst.add.f32.msk $0xffff, v46  }
0x180: {  	[tilespmem:s8+$0x1C10] =	vst.add.f32.msk $0xffff, v47  }
0x181: {  	[tilespmem:s8+$0x1C20] =	vst.add.f32.msk $0xffff, v48  }
0x182: {  	s15 =	sshrl.u32 s13, $0x3;
	s13 =	sadd.s32 $0x1, s13;
	[tilespmem:s8+$0x1C30] =	vst.add.f32.msk $0xffff, v49  }
0x183: {  	s13 =	smul.u32 $0x1800, s15;
	[tilespmem:s8+$0x1C40] =	vst.add.f32.msk $0xffff, v5;
	s7 =	sadd.s32 $0x80, s7  }
0x184: {  	[tilespmem:s8+$0x1C50] =	vst.add.f32.msk $0xffff, v4;
	s7 =	sand.u32 $0x380, s7  }
0x185: {  	[tilespmem:s8+$0x1C60] =	vst.add.f32.msk $0xffff, v3;
	s13 =	sor.u32 s7, s13  }
0x186: {  	v3 =	vld [tilespmem:s13+$0x7C70]  }
0x187: {  	v4 =	vld [tilespmem:s13+$0x6800]  }
0x188: {  	v5 =	vld [tilespmem:s13+$0x6810]  }
0x189: {  	v6 =	vld [tilespmem:s13+$0x6820]  }
0x18a: {  	v7 =	vld [tilespmem:s13+$0x6830]  }
0x18b: {  	v8 =	vld [tilespmem:s13+$0x6850]  }
0x18c: {  	v9 =	vld [tilespmem:s13+$0x6860]  }
0x18d: {  	v10 =	vld [tilespmem:s13+$0x6870]  }
0x18e: {  	v11 =	vld [tilespmem:s13+$0x6C00]  }
0x18f: {  	v12 =	vld [tilespmem:s13+$0x6C10]  }
0x190: {  	v13 =	vld [tilespmem:s13+$0x6C20]  }
0x191: {  	v14 =	vld [tilespmem:s13+$0x6C30]  }
0x192: {  	v15 =	vld [tilespmem:s13+$0x6C40]  }
0x193: {  	v16 =	vld [tilespmem:s13+$0x6C50]  }
0x194: {  	v17 =	vld [tilespmem:s13+$0x6C60]  }
0x195: {  	v18 =	vld [tilespmem:s13+$0x6C70]  }
0x196: {  	v19 =	vld [tilespmem:s13+$0x7000]  }
0x197: {  	v20 =	vld [tilespmem:s13+$0x7010]  }
0x198: {  	v21 =	vld [tilespmem:s13+$0x7020]  }
0x199: {  	v22 =	vld [tilespmem:s13+$0x7030]  }
0x19a: {  	v23 =	vld [tilespmem:s13+$0x7040]  }
0x19b: {  	v24 =	vld [tilespmem:s13+$0x7050]  }
0x19c: {  	v25 =	vld [tilespmem:s13+$0x7060]  }
0x19d: {  	v26 =	vld [tilespmem:s13+$0x7070]  }
0x19e: {  	v27 =	vld [tilespmem:s13+$0x7400]  }
0x19f: {  	v28 =	vld [tilespmem:s13+$0x7410]  }
0x1a0: {  	v29 =	vld [tilespmem:s13+$0x7420]  }
0x1a1: {  	v30 =	vld [tilespmem:s13+$0x7430]  }
0x1a2: {  	v31 =	vld [tilespmem:s13+$0x7440]  }
0x1a3: {  	v32 =	vld [tilespmem:s13+$0x7450]  }
0x1a4: {  	v33 =	vld [tilespmem:s13+$0x7460]  }
0x1a5: {  	v34 =	vld [tilespmem:s13+$0x7470]  }
0x1a6: {  	v35 =	vld [tilespmem:s13+$0x7800]  }
0x1a7: {  	v36 =	vld [tilespmem:s13+$0x7810]  }
0x1a8: {  	v37 =	vld [tilespmem:s13+$0x7820]  }
0x1a9: {  	v38 =	vld [tilespmem:s13+$0x7830]  }
0x1aa: {  	v39 =	vld [tilespmem:s13+$0x7840]  }
0x1ab: {  	v40 =	vld [tilespmem:s13+$0x7850]  }
0x1ac: {  	v41 =	vld [tilespmem:s13+$0x7860]  }
0x1ad: {  	v42 =	vld [tilespmem:s13+$0x7870]  }
0x1ae: {  	v43 =	vld [tilespmem:s13+$0x7C00]  }
0x1af: {  	v44 =	vld [tilespmem:s13+$0x7C10]  }
0x1b0: {  	v45 =	vld [tilespmem:s13+$0x7C20]  }
0x1b1: {  	v46 =	vld [tilespmem:s13+$0x7C30]  }
0x1b2: {  	v47 =	vld [tilespmem:s13+$0x7C40]  }
0x1b3: {  	v48 =	vld [tilespmem:s13+$0x7C50]  }
0x1b4: {  	v49 =	vld [tilespmem:s13+$0x7C60]  }
0x1b5: {  	[tilespmem:s13+$0x1C70] =	vst.add.f32.msk $0xffff, v3  }
0x1b6: {  	v3 =	vld [tilespmem:s13+$0x6840]  }
0x1b7: {  	[tilespmem:s13+$0x800] =	vst.add.f32.msk $0xffff, v4  }
0x1b8: {  	[tilespmem:s13+$0x810] =	vst.add.f32.msk $0xffff, v5  }
0x1b9: {  	[tilespmem:s13+$0x820] =	vst.add.f32.msk $0xffff, v6  }
0x1ba: {  	[tilespmem:s13+$0x830] =	vst.add.f32.msk $0xffff, v7  }
0x1bb: {  	[tilespmem:s13+$0x850] =	vst.add.f32.msk $0xffff, v8  }
0x1bc: {  	[tilespmem:s13+$0x860] =	vst.add.f32.msk $0xffff, v9  }
0x1bd: {  	[tilespmem:s13+$0x870] =	vst.add.f32.msk $0xffff, v10  }
0x1be: {  	[tilespmem:s13+$0xC00] =	vst.add.f32.msk $0xffff, v11  }
0x1bf: {  	[tilespmem:s13+$0xC10] =	vst.add.f32.msk $0xffff, v12  }
0x1c0: {  	[tilespmem:s13+$0xC20] =	vst.add.f32.msk $0xffff, v13  }
0x1c1: {  	[tilespmem:s13+$0xC30] =	vst.add.f32.msk $0xffff, v14  }
0x1c2: {  	[tilespmem:s13+$0xC40] =	vst.add.f32.msk $0xffff, v15  }
0x1c3: {  	[tilespmem:s13+$0xC50] =	vst.add.f32.msk $0xffff, v16  }
0x1c4: {  	[tilespmem:s13+$0xC60] =	vst.add.f32.msk $0xffff, v17  }
0x1c5: {  	[tilespmem:s13+$0xC70] =	vst.add.f32.msk $0xffff, v18  }
0x1c6: {  	[tilespmem:s13+$0x1000] =	vst.add.f32.msk $0xffff, v19  }
0x1c7: {  	[tilespmem:s13+$0x1010] =	vst.add.f32.msk $0xffff, v20  }
0x1c8: {  	[tilespmem:s13+$0x1020] =	vst.add.f32.msk $0xffff, v21  }
0x1c9: {  	[tilespmem:s13+$0x1030] =	vst.add.f32.msk $0xffff, v22  }
0x1ca: {  	[tilespmem:s13+$0x1040] =	vst.add.f32.msk $0xffff, v23  }
0x1cb: {  	[tilespmem:s13+$0x1050] =	vst.add.f32.msk $0xffff, v24  }
0x1cc: {  	[tilespmem:s13+$0x1060] =	vst.add.f32.msk $0xffff, v25  }
0x1cd: {  	[tilespmem:s13+$0x1070] =	vst.add.f32.msk $0xffff, v26  }
0x1ce: {  	[tilespmem:s13+$0x1400] =	vst.add.f32.msk $0xffff, v27  }
0x1cf: {  	[tilespmem:s13+$0x1410] =	vst.add.f32.msk $0xffff, v28  }
0x1d0: {  	[tilespmem:s13+$0x1420] =	vst.add.f32.msk $0xffff, v29  }
0x1d1: {  	[tilespmem:s13+$0x1430] =	vst.add.f32.msk $0xffff, v30  }
0x1d2: {  	[tilespmem:s13+$0x1440] =	vst.add.f32.msk $0xffff, v31  }
0x1d3: {  	[tilespmem:s13+$0x1450] =	vst.add.f32.msk $0xffff, v32  }
0x1d4: {  	[tilespmem:s13+$0x1460] =	vst.add.f32.msk $0xffff, v33  }
0x1d5: {  	[tilespmem:s13+$0x1470] =	vst.add.f32.msk $0xffff, v34  }
0x1d6: {  	[tilespmem:s13+$0x1800] =	vst.add.f32.msk $0xffff, v35  }
0x1d7: {  	[tilespmem:s13+$0x1810] =	vst.add.f32.msk $0xffff, v36  }
0x1d8: {  	[tilespmem:s13+$0x1820] =	vst.add.f32.msk $0xffff, v37  }
0x1d9: {  	[tilespmem:s13+$0x1830] =	vst.add.f32.msk $0xffff, v38  }
0x1da: {  	[tilespmem:s13+$0x1840] =	vst.add.f32.msk $0xffff, v39  }
0x1db: {  	[tilespmem:s13+$0x1850] =	vst.add.f32.msk $0xffff, v40  }
0x1dc: {  	[tilespmem:s13+$0x1860] =	vst.add.f32.msk $0xffff, v41  }
0x1dd: {  	[tilespmem:s13+$0x1870] =	vst.add.f32.msk $0xffff, v42  }
0x1de: {  	[tilespmem:s13+$0x1C00] =	vst.add.f32.msk $0xffff, v43  }
0x1df: {  	[tilespmem:s13+$0x1C10] =	vst.add.f32.msk $0xffff, v44  }
0x1e0: {  	s16 =	sshll.u32 s3, $0x6;
	[tilespmem:s13+$0x1C20] =	vst.add.f32.msk $0xffff, v45  }
0x1e1: {  	s8 =	sor.u32 s5, s16;
	[tilespmem:s13+$0x1C30] =	vst.add.f32.msk $0xffff, v46  }
0x1e2: {  	s7 =	sshrl.u32 s8, $0x3;
	[tilespmem:s13+$0x1C40] =	vst.add.f32.msk $0xffff, v47  }
0x1e3: {  	s7 =	smul.u32 $0x300, s7;
	[tilespmem:s13+$0x1C50] =	vst.add.f32.msk $0xffff, v48  }
0x1e4: {  	[tilespmem:s13+$0x1C60] =	vst.add.f32.msk $0xffff, v49  }
0x1e5: {  	s8 =	simm.s32 $0x0;
	s15 =	sadd.s32 s6, s7;
	[tilespmem:s13+$0x840] =	vst.add.f32.msk $0xffff, v3  }
0x1e6: {  	[hbm4b:s15+s8] =	stream.linear.scatter [tilespmem:s17], [sflag:$0x3], $0x6000, $0x38;
	[tilespmem:$0x18800] =	vst v63  }
0x1e7: {  	_ =	swait.ge [sflag:s29], $0x6000  }
0x1e8: {  	[sflag:s29] =	ssyncset.done $0x0  }
0x1e9: {  	s18 =	simm.s32 $0x0;
	[sflag:s29] =	ssyncadd.s32 $0xFFFFA000  }
0x1ea: {  	s13 =	smul.u32 $0x1800, s18;
	_ =	swait.ge [sflag:s30], $0x6000  }
0x1eb: {  	s19 =	sand.u32 $0x380, s8;
	[sflag:s30] =	ssyncset.done $0x0  }
0x1ec: {  	s13 =	sor.u32 s19, s13;
	[sflag:s30] =	ssyncadd.s32 $0xFFFFA000  }
0x1ed: {  	v3 =	vld [tilespmem:s13+$0x13C70]  }
0x1ee: {  	v6 =	vld [tilespmem:s13+$0x12800]  }
0x1ef: {  	v7 =	vld [tilespmem:s13+$0x12810]  }
0x1f0: {  	v8 =	vld [tilespmem:s13+$0x12820]  }
0x1f1: {  	v9 =	vld [tilespmem:s13+$0x12830]  }
0x1f2: {  	v10 =	vld [tilespmem:s13+$0x12840]  }
0x1f3: {  	v11 =	vld [tilespmem:s13+$0x12850]  }
0x1f4: {  	v12 =	vld [tilespmem:s13+$0x12860]  }
0x1f5: {  	v13 =	vld [tilespmem:s13+$0x12870]  }
0x1f6: {  	v14 =	vld [tilespmem:s13+$0x12C00]  }
0x1f7: {  	v15 =	vld [tilespmem:s13+$0x12C10]  }
0x1f8: {  	v16 =	vld [tilespmem:s13+$0x12C20]  }
0x1f9: {  	v17 =	vld [tilespmem:s13+$0x12C30]  }
0x1fa: {  	v18 =	vld [tilespmem:s13+$0x12C40]  }
0x1fb: {  	v19 =	vld [tilespmem:s13+$0x12C50]  }
0x1fc: {  	v20 =	vld [tilespmem:s13+$0x12C60]  }
0x1fd: {  	v21 =	vld [tilespmem:s13+$0x12C70]  }
0x1fe: {  	v22 =	vld [tilespmem:s13+$0x13000]  }
0x1ff: {  	v23 =	vld [tilespmem:s13+$0x13010]  }
0x200: {  	v24 =	vld [tilespmem:s13+$0x13020]  }
0x201: {  	v25 =	vld [tilespmem:s13+$0x13030]  }
0x202: {  	v26 =	vld [tilespmem:s13+$0x13040]  }
0x203: {  	v27 =	vld [tilespmem:s13+$0x13050]  }
0x204: {  	v28 =	vld [tilespmem:s13+$0x13060]  }
0x205: {  	v29 =	vld [tilespmem:s13+$0x13070]  }
0x206: {  	v30 =	vld [tilespmem:s13+$0x13400]  }
0x207: {  	v31 =	vld [tilespmem:s13+$0x13410]  }
0x208: {  	v32 =	vld [tilespmem:s13+$0x13420]  }
0x209: {  	v33 =	vld [tilespmem:s13+$0x13430]  }
0x20a: {  	v34 =	vld [tilespmem:s13+$0x13440]  }
0x20b: {  	v35 =	vld [tilespmem:s13+$0x13450]  }
0x20c: {  	v36 =	vld [tilespmem:s13+$0x13460]  }
0x20d: {  	v37 =	vld [tilespmem:s13+$0x13470]  }
0x20e: {  	v52 =	vld [tilespmem:s13+$0x13800]  }
0x20f: {  	v53 =	vld [tilespmem:s13+$0x13810]  }
0x210: {  	v54 =	vld [tilespmem:s13+$0x13820]  }
0x211: {  	v55 =	vld [tilespmem:s13+$0x13830]  }
0x212: {  	v56 =	vld [tilespmem:s13+$0x13840]  }
0x213: {  	v57 =	vld [tilespmem:s13+$0x13850]  }
0x214: {  	v58 =	vld [tilespmem:s13+$0x13860]  }
0x215: {  	v59 =	vld [tilespmem:s13+$0x13870]  }
0x216: {  	v60 =	vld [tilespmem:s13+$0x13C00]  }
0x217: {  	v61 =	vld [tilespmem:s13+$0x13C10]  }
0x218: {  	v62 =	vld [tilespmem:s13+$0x13C20]  }
0x219: {  	v63 =	vld [tilespmem:s13+$0x13C30]  }
0x21a: {  	v5 =	vld [tilespmem:s13+$0x13C40]  }
0x21b: {  	v4 =	vld [tilespmem:s13+$0x13C50]  }
0x21c: {  	[tilespmem:s13+$0xDC70] =	vst.add.f32.msk $0xffff, v3  }
0x21d: {  	v3 =	vld [tilespmem:s13+$0x13C60]  }
0x21e: {  	[tilespmem:s13+$0xC800] =	vst.add.f32.msk $0xffff, v6  }
0x21f: {  	[tilespmem:s13+$0xC810] =	vst.add.f32.msk $0xffff, v7  }
0x220: {  	[tilespmem:s13+$0xC820] =	vst.add.f32.msk $0xffff, v8  }
0x221: {  	[tilespmem:s13+$0xC830] =	vst.add.f32.msk $0xffff, v9  }
0x222: {  	[tilespmem:s13+$0xC840] =	vst.add.f32.msk $0xffff, v10  }
0x223: {  	[tilespmem:s13+$0xC850] =	vst.add.f32.msk $0xffff, v11  }
0x224: {  	[tilespmem:s13+$0xC860] =	vst.add.f32.msk $0xffff, v12  }
0x225: {  	[tilespmem:s13+$0xC870] =	vst.add.f32.msk $0xffff, v13  }
0x226: {  	[tilespmem:s13+$0xCC00] =	vst.add.f32.msk $0xffff, v14  }
0x227: {  	[tilespmem:s13+$0xCC10] =	vst.add.f32.msk $0xffff, v15  }
0x228: {  	[tilespmem:s13+$0xCC20] =	vst.add.f32.msk $0xffff, v16  }
0x229: {  	[tilespmem:s13+$0xCC30] =	vst.add.f32.msk $0xffff, v17  }
0x22a: {  	[tilespmem:s13+$0xCC40] =	vst.add.f32.msk $0xffff, v18  }
0x22b: {  	[tilespmem:s13+$0xCC50] =	vst.add.f32.msk $0xffff, v19  }
0x22c: {  	[tilespmem:s13+$0xCC60] =	vst.add.f32.msk $0xffff, v20  }
0x22d: {  	[tilespmem:s13+$0xCC70] =	vst.add.f32.msk $0xffff, v21  }
0x22e: {  	[tilespmem:s13+$0xD000] =	vst.add.f32.msk $0xffff, v22  }
0x22f: {  	[tilespmem:s13+$0xD010] =	vst.add.f32.msk $0xffff, v23  }
0x230: {  	[tilespmem:s13+$0xD020] =	vst.add.f32.msk $0xffff, v24  }
0x231: {  	[tilespmem:s13+$0xD030] =	vst.add.f32.msk $0xffff, v25  }
0x232: {  	[tilespmem:s13+$0xD040] =	vst.add.f32.msk $0xffff, v26  }
0x233: {  	[tilespmem:s13+$0xD050] =	vst.add.f32.msk $0xffff, v27  }
0x234: {  	[tilespmem:s13+$0xD060] =	vst.add.f32.msk $0xffff, v28  }
0x235: {  	[tilespmem:s13+$0xD070] =	vst.add.f32.msk $0xffff, v29  }
0x236: {  	[tilespmem:s13+$0xD400] =	vst.add.f32.msk $0xffff, v30  }
0x237: {  	[tilespmem:s13+$0xD410] =	vst.add.f32.msk $0xffff, v31  }
0x238: {  	[tilespmem:s13+$0xD420] =	vst.add.f32.msk $0xffff, v32  }
0x239: {  	[tilespmem:s13+$0xD430] =	vst.add.f32.msk $0xffff, v33  }
0x23a: {  	[tilespmem:s13+$0xD440] =	vst.add.f32.msk $0xffff, v34  }
0x23b: {  	[tilespmem:s13+$0xD450] =	vst.add.f32.msk $0xffff, v35  }
0x23c: {  	[tilespmem:s13+$0xD460] =	vst.add.f32.msk $0xffff, v36  }
0x23d: {  	[tilespmem:s13+$0xD470] =	vst.add.f32.msk $0xffff, v37  }
0x23e: {  	[tilespmem:s13+$0xD800] =	vst.add.f32.msk $0xffff, v52  }
0x23f: {  	[tilespmem:s13+$0xD810] =	vst.add.f32.msk $0xffff, v53  }
0x240: {  	[tilespmem:s13+$0xD820] =	vst.add.f32.msk $0xffff, v54  }
0x241: {  	[tilespmem:s13+$0xD830] =	vst.add.f32.msk $0xffff, v55  }
0x242: {  	[tilespmem:s13+$0xD840] =	vst.add.f32.msk $0xffff, v56  }
0x243: {  	[tilespmem:s13+$0xD850] =	vst.add.f32.msk $0xffff, v57  }
0x244: {  	[tilespmem:s13+$0xD860] =	vst.add.f32.msk $0xffff, v58  }
0x245: {  	[tilespmem:s13+$0xD870] =	vst.add.f32.msk $0xffff, v59  }
0x246: {  	[tilespmem:s13+$0xDC00] =	vst.add.f32.msk $0xffff, v60  }
0x247: {  	[tilespmem:s13+$0xDC10] =	vst.add.f32.msk $0xffff, v61  }
0x248: {  	[tilespmem:s13+$0xDC20] =	vst.add.f32.msk $0xffff, v62  }
0x249: {  	s18 =	simm.s32 $0x0;
	s15 =	simm.s32 $0x2;
	[tilespmem:s13+$0xDC30] =	vst.add.f32.msk $0xffff, v63  }
.LBB2_5:
0x24a: {  	p0 =	sne.s32 s15, $0x1F;
	s18 =	smul.u32 $0x1800, s18;
	[tilespmem:s13+$0xDC40] =	vst.add.f32.msk $0xffff, v5;
	s8 =	sadd.s32 $0x80, s8  }
0x24b: {  	s19 =	sand.u32 $0x380, s8;
	[tilespmem:s13+$0xDC50] =	vst.add.f32.msk $0xffff, v4  }
0x24c: {  	[tilespmem:s13+$0xDC60] =	vst.add.f32.msk $0xffff, v3;
	s13 =	sor.u32 s19, s18  }
0x24d: {  	v3 =	vld [tilespmem:s13+$0x13C70]  }
0x24e: {  	v6 =	vld [tilespmem:s13+$0x12800]  }
0x24f: {  	v7 =	vld [tilespmem:s13+$0x12810]  }
0x250: {  	v8 =	vld [tilespmem:s13+$0x12820]  }
0x251: {  	v9 =	vld [tilespmem:s13+$0x12830]  }
0x252: {  	[tilespmem:s13+$0xDC70] =	vst.add.f32.msk $0xffff, v3  }
0x253: {  	v10 =	vld [tilespmem:s13+$0x12840]  }
0x254: {  	v11 =	vld [tilespmem:s13+$0x12850]  }
0x255: {  	v12 =	vld [tilespmem:s13+$0x12860]  }
0x256: {  	v13 =	vld [tilespmem:s13+$0x12870]  }
0x257: {  	v14 =	vld [tilespmem:s13+$0x12C00]  }
0x258: {  	v15 =	vld [tilespmem:s13+$0x12C10]  }
0x259: {  	v16 =	vld [tilespmem:s13+$0x12C20]  }
0x25a: {  	v17 =	vld [tilespmem:s13+$0x12C30]  }
0x25b: {  	v18 =	vld [tilespmem:s13+$0x12C40]  }
0x25c: {  	v19 =	vld [tilespmem:s13+$0x12C50]  }
0x25d: {  	v20 =	vld [tilespmem:s13+$0x12C60]  }
0x25e: {  	v21 =	vld [tilespmem:s13+$0x12C70]  }
0x25f: {  	v22 =	vld [tilespmem:s13+$0x13000]  }
0x260: {  	v23 =	vld [tilespmem:s13+$0x13010]  }
0x261: {  	v24 =	vld [tilespmem:s13+$0x13020]  }
0x262: {  	v25 =	vld [tilespmem:s13+$0x13030]  }
0x263: {  	v26 =	vld [tilespmem:s13+$0x13040]  }
0x264: {  	v27 =	vld [tilespmem:s13+$0x13050]  }
0x265: {  	v28 =	vld [tilespmem:s13+$0x13060]  }
0x266: {  	v29 =	vld [tilespmem:s13+$0x13070]  }
0x267: {  	v30 =	vld [tilespmem:s13+$0x13400]  }
0x268: {  	v31 =	vld [tilespmem:s13+$0x13410]  }
0x269: {  	v32 =	vld [tilespmem:s13+$0x13420]  }
0x26a: {  	v33 =	vld [tilespmem:s13+$0x13430]  }
0x26b: {  	v34 =	vld [tilespmem:s13+$0x13440]  }
0x26c: {  	v35 =	vld [tilespmem:s13+$0x13450]  }
0x26d: {  	v36 =	vld [tilespmem:s13+$0x13460]  }
0x26e: {  	v37 =	vld [tilespmem:s13+$0x13470]  }
0x26f: {  	v38 =	vld [tilespmem:s13+$0x13800]  }
0x270: {  	v39 =	vld [tilespmem:s13+$0x13810]  }
0x271: {  	v40 =	vld [tilespmem:s13+$0x13820]  }
0x272: {  	v41 =	vld [tilespmem:s13+$0x13830]  }
0x273: {  	v42 =	vld [tilespmem:s13+$0x13840]  }
0x274: {  	v43 =	vld [tilespmem:s13+$0x13850]  }
0x275: {  	v44 =	vld [tilespmem:s13+$0x13860]  }
0x276: {  	v45 =	vld [tilespmem:s13+$0x13870]  }
0x277: {  	v46 =	vld [tilespmem:s13+$0x13C00]  }
0x278: {  	v47 =	vld [tilespmem:s13+$0x13C10]  }
0x279: {  	v48 =	vld [tilespmem:s13+$0x13C20]  }
0x27a: {  	v49 =	vld [tilespmem:s13+$0x13C30]  }
0x27b: {  	v5 =	vld [tilespmem:s13+$0x13C40]  }
0x27c: {  	v4 =	vld [tilespmem:s13+$0x13C50]  }
0x27d: {  	v3 =	vld [tilespmem:s13+$0x13C60]  }
0x27e: {  	[tilespmem:s13+$0xC800] =	vst.add.f32.msk $0xffff, v6  }
0x27f: {  	[tilespmem:s13+$0xC810] =	vst.add.f32.msk $0xffff, v7  }
0x280: {  	[tilespmem:s13+$0xC820] =	vst.add.f32.msk $0xffff, v8  }
0x281: {  	[tilespmem:s13+$0xC830] =	vst.add.f32.msk $0xffff, v9  }
0x282: {  	[tilespmem:s13+$0xC840] =	vst.add.f32.msk $0xffff, v10  }
0x283: {  	[tilespmem:s13+$0xC850] =	vst.add.f32.msk $0xffff, v11  }
0x284: {  	[tilespmem:s13+$0xC860] =	vst.add.f32.msk $0xffff, v12  }
0x285: {  	[tilespmem:s13+$0xC870] =	vst.add.f32.msk $0xffff, v13  }
0x286: {  	[tilespmem:s13+$0xCC00] =	vst.add.f32.msk $0xffff, v14  }
0x287: {  	[tilespmem:s13+$0xCC10] =	vst.add.f32.msk $0xffff, v15  }
0x288: {  	[tilespmem:s13+$0xCC20] =	vst.add.f32.msk $0xffff, v16  }
0x289: {  	[tilespmem:s13+$0xCC30] =	vst.add.f32.msk $0xffff, v17  }
0x28a: {  	[tilespmem:s13+$0xCC40] =	vst.add.f32.msk $0xffff, v18  }
0x28b: {  	[tilespmem:s13+$0xCC50] =	vst.add.f32.msk $0xffff, v19  }
0x28c: {  	[tilespmem:s13+$0xCC60] =	vst.add.f32.msk $0xffff, v20  }
0x28d: {  	[tilespmem:s13+$0xCC70] =	vst.add.f32.msk $0xffff, v21  }
0x28e: {  	[tilespmem:s13+$0xD000] =	vst.add.f32.msk $0xffff, v22  }
0x28f: {  	[tilespmem:s13+$0xD010] =	vst.add.f32.msk $0xffff, v23  }
0x290: {  	[tilespmem:s13+$0xD020] =	vst.add.f32.msk $0xffff, v24  }
0x291: {  	[tilespmem:s13+$0xD030] =	vst.add.f32.msk $0xffff, v25  }
0x292: {  	[tilespmem:s13+$0xD040] =	vst.add.f32.msk $0xffff, v26  }
0x293: {  	[tilespmem:s13+$0xD050] =	vst.add.f32.msk $0xffff, v27  }
0x294: {  	[tilespmem:s13+$0xD060] =	vst.add.f32.msk $0xffff, v28  }
0x295: {  	[tilespmem:s13+$0xD070] =	vst.add.f32.msk $0xffff, v29  }
0x296: {  	[tilespmem:s13+$0xD400] =	vst.add.f32.msk $0xffff, v30  }
0x297: {  	[tilespmem:s13+$0xD410] =	vst.add.f32.msk $0xffff, v31  }
0x298: {  	[tilespmem:s13+$0xD420] =	vst.add.f32.msk $0xffff, v32  }
0x299: {  	[tilespmem:s13+$0xD430] =	vst.add.f32.msk $0xffff, v33  }
0x29a: {  	[tilespmem:s13+$0xD440] =	vst.add.f32.msk $0xffff, v34  }
0x29b: {  	[tilespmem:s13+$0xD450] =	vst.add.f32.msk $0xffff, v35  }
0x29c: {  	[tilespmem:s13+$0xD460] =	vst.add.f32.msk $0xffff, v36  }
0x29d: {  	[tilespmem:s13+$0xD470] =	vst.add.f32.msk $0xffff, v37  }
0x29e: {  	[tilespmem:s13+$0xD800] =	vst.add.f32.msk $0xffff, v38  }
0x29f: {  	[tilespmem:s13+$0xD810] =	vst.add.f32.msk $0xffff, v39  }
0x2a0: {  	[tilespmem:s13+$0xD820] =	vst.add.f32.msk $0xffff, v40  }
0x2a1: {  	[tilespmem:s13+$0xD830] =	vst.add.f32.msk $0xffff, v41  }
0x2a2: {  	[tilespmem:s13+$0xD840] =	vst.add.f32.msk $0xffff, v42  }
0x2a3: {  	[tilespmem:s13+$0xD850] =	vst.add.f32.msk $0xffff, v43  }
0x2a4: {  	[tilespmem:s13+$0xD860] =	vst.add.f32.msk $0xffff, v44  }
.Ltmp3:
0x2a5: {  	[tilespmem:s13+$0xD870] =	vst.add.f32.msk $0xffff, v45;
	(pc) =	sbr.rel @p0 .LBB2_5-.Ltmp3, $4  }
0x2a6: {  	[tilespmem:s13+$0xDC00] =	vst.add.f32.msk $0xffff, v46  }
0x2a7: {  	[tilespmem:s13+$0xDC10] =	vst.add.f32.msk $0xffff, v47  }
0x2a8: {  	[tilespmem:s13+$0xDC20] =	vst.add.f32.msk $0xffff, v48  }
0x2a9: {  	s18 =	sshrl.u32 s15, $0x3;
	s15 =	sadd.s32 $0x1, s15;
	[tilespmem:s13+$0xDC30] =	vst.add.f32.msk $0xffff, v49  }
0x2aa: {  	s15 =	smul.u32 $0x1800, s18;
	[tilespmem:s13+$0xDC40] =	vst.add.f32.msk $0xffff, v5;
	s8 =	sadd.s32 $0x80, s8  }
0x2ab: {  	[tilespmem:s13+$0xDC50] =	vst.add.f32.msk $0xffff, v4;
	s8 =	sand.u32 $0x380, s8  }
0x2ac: {  	[tilespmem:s13+$0xDC60] =	vst.add.f32.msk $0xffff, v3;
	s8 =	sor.u32 s8, s15  }
0x2ad: {  	v3 =	vld [tilespmem:s8+$0x13C70]  }
0x2ae: {  	v4 =	vld [tilespmem:s8+$0x12800]  }
0x2af: {  	v5 =	vld [tilespmem:s8+$0x12810]  }
0x2b0: {  	v6 =	vld [tilespmem:s8+$0x12820]  }
0x2b1: {  	v7 =	vld [tilespmem:s8+$0x12830]  }
0x2b2: {  	v8 =	vld [tilespmem:s8+$0x12850]  }
0x2b3: {  	v9 =	vld [tilespmem:s8+$0x12860]  }
0x2b4: {  	v10 =	vld [tilespmem:s8+$0x12870]  }
0x2b5: {  	v11 =	vld [tilespmem:s8+$0x12C00]  }
0x2b6: {  	v12 =	vld [tilespmem:s8+$0x12C10]  }
0x2b7: {  	v13 =	vld [tilespmem:s8+$0x12C20]  }
0x2b8: {  	v14 =	vld [tilespmem:s8+$0x12C30]  }
0x2b9: {  	v15 =	vld [tilespmem:s8+$0x12C40]  }
0x2ba: {  	v16 =	vld [tilespmem:s8+$0x12C50]  }
0x2bb: {  	v17 =	vld [tilespmem:s8+$0x12C60]  }
0x2bc: {  	v18 =	vld [tilespmem:s8+$0x12C70]  }
0x2bd: {  	v19 =	vld [tilespmem:s8+$0x13000]  }
0x2be: {  	v20 =	vld [tilespmem:s8+$0x13010]  }
0x2bf: {  	v21 =	vld [tilespmem:s8+$0x13020]  }
0x2c0: {  	v22 =	vld [tilespmem:s8+$0x13030]  }
0x2c1: {  	v23 =	vld [tilespmem:s8+$0x13040]  }
0x2c2: {  	v24 =	vld [tilespmem:s8+$0x13050]  }
0x2c3: {  	v25 =	vld [tilespmem:s8+$0x13060]  }
0x2c4: {  	v26 =	vld [tilespmem:s8+$0x13070]  }
0x2c5: {  	v27 =	vld [tilespmem:s8+$0x13400]  }
0x2c6: {  	v28 =	vld [tilespmem:s8+$0x13410]  }
0x2c7: {  	v29 =	vld [tilespmem:s8+$0x13420]  }
0x2c8: {  	v30 =	vld [tilespmem:s8+$0x13430]  }
0x2c9: {  	v31 =	vld [tilespmem:s8+$0x13440]  }
0x2ca: {  	v32 =	vld [tilespmem:s8+$0x13450]  }
0x2cb: {  	v33 =	vld [tilespmem:s8+$0x13460]  }
0x2cc: {  	v34 =	vld [tilespmem:s8+$0x13470]  }
0x2cd: {  	v35 =	vld [tilespmem:s8+$0x13800]  }
0x2ce: {  	v36 =	vld [tilespmem:s8+$0x13810]  }
0x2cf: {  	v37 =	vld [tilespmem:s8+$0x13820]  }
0x2d0: {  	v38 =	vld [tilespmem:s8+$0x13830]  }
0x2d1: {  	v39 =	vld [tilespmem:s8+$0x13840]  }
0x2d2: {  	v40 =	vld [tilespmem:s8+$0x13850]  }
0x2d3: {  	v41 =	vld [tilespmem:s8+$0x13860]  }
0x2d4: {  	v42 =	vld [tilespmem:s8+$0x13870]  }
0x2d5: {  	v43 =	vld [tilespmem:s8+$0x13C00]  }
0x2d6: {  	v44 =	vld [tilespmem:s8+$0x13C10]  }
0x2d7: {  	v45 =	vld [tilespmem:s8+$0x13C20]  }
0x2d8: {  	v46 =	vld [tilespmem:s8+$0x13C30]  }
0x2d9: {  	v47 =	vld [tilespmem:s8+$0x13C40]  }
0x2da: {  	v48 =	vld [tilespmem:s8+$0x13C50]  }
0x2db: {  	v49 =	vld [tilespmem:s8+$0x13C60]  }
0x2dc: {  	[tilespmem:s8+$0xDC70] =	vst.add.f32.msk $0xffff, v3  }
0x2dd: {  	v3 =	vld [tilespmem:s8+$0x12840]  }
0x2de: {  	[tilespmem:s8+$0xC800] =	vst.add.f32.msk $0xffff, v4  }
0x2df: {  	[tilespmem:s8+$0xC810] =	vst.add.f32.msk $0xffff, v5  }
0x2e0: {  	[tilespmem:s8+$0xC820] =	vst.add.f32.msk $0xffff, v6  }
0x2e1: {  	[tilespmem:s8+$0xC830] =	vst.add.f32.msk $0xffff, v7  }
0x2e2: {  	[tilespmem:s8+$0xC850] =	vst.add.f32.msk $0xffff, v8  }
0x2e3: {  	[tilespmem:s8+$0xC860] =	vst.add.f32.msk $0xffff, v9  }
0x2e4: {  	[tilespmem:s8+$0xC870] =	vst.add.f32.msk $0xffff, v10  }
0x2e5: {  	[tilespmem:s8+$0xCC00] =	vst.add.f32.msk $0xffff, v11  }
0x2e6: {  	[tilespmem:s8+$0xCC10] =	vst.add.f32.msk $0xffff, v12  }
0x2e7: {  	[tilespmem:s8+$0xCC20] =	vst.add.f32.msk $0xffff, v13  }
0x2e8: {  	[tilespmem:s8+$0xCC30] =	vst.add.f32.msk $0xffff, v14  }
0x2e9: {  	[tilespmem:s8+$0xCC40] =	vst.add.f32.msk $0xffff, v15  }
0x2ea: {  	[tilespmem:s8+$0xCC50] =	vst.add.f32.msk $0xffff, v16  }
0x2eb: {  	[tilespmem:s8+$0xCC60] =	vst.add.f32.msk $0xffff, v17  }
0x2ec: {  	[tilespmem:s8+$0xCC70] =	vst.add.f32.msk $0xffff, v18  }
0x2ed: {  	[tilespmem:s8+$0xD000] =	vst.add.f32.msk $0xffff, v19  }
0x2ee: {  	[tilespmem:s8+$0xD010] =	vst.add.f32.msk $0xffff, v20  }
0x2ef: {  	[tilespmem:s8+$0xD020] =	vst.add.f32.msk $0xffff, v21  }
0x2f0: {  	[tilespmem:s8+$0xD030] =	vst.add.f32.msk $0xffff, v22  }
0x2f1: {  	[tilespmem:s8+$0xD040] =	vst.add.f32.msk $0xffff, v23  }
0x2f2: {  	[tilespmem:s8+$0xD050] =	vst.add.f32.msk $0xffff, v24  }
0x2f3: {  	[tilespmem:s8+$0xD060] =	vst.add.f32.msk $0xffff, v25  }
0x2f4: {  	[tilespmem:s8+$0xD070] =	vst.add.f32.msk $0xffff, v26  }
0x2f5: {  	[tilespmem:s8+$0xD400] =	vst.add.f32.msk $0xffff, v27  }
0x2f6: {  	[tilespmem:s8+$0xD410] =	vst.add.f32.msk $0xffff, v28  }
0x2f7: {  	[tilespmem:s8+$0xD420] =	vst.add.f32.msk $0xffff, v29  }
0x2f8: {  	[tilespmem:s8+$0xD430] =	vst.add.f32.msk $0xffff, v30  }
0x2f9: {  	[tilespmem:s8+$0xD440] =	vst.add.f32.msk $0xffff, v31  }
0x2fa: {  	[tilespmem:s8+$0xD450] =	vst.add.f32.msk $0xffff, v32  }
0x2fb: {  	[tilespmem:s8+$0xD460] =	vst.add.f32.msk $0xffff, v33  }
0x2fc: {  	[tilespmem:s8+$0xD470] =	vst.add.f32.msk $0xffff, v34  }
0x2fd: {  	[tilespmem:s8+$0xD800] =	vst.add.f32.msk $0xffff, v35  }
0x2fe: {  	[tilespmem:s8+$0xD810] =	vst.add.f32.msk $0xffff, v36  }
0x2ff: {  	[tilespmem:s8+$0xD820] =	vst.add.f32.msk $0xffff, v37  }
0x300: {  	[tilespmem:s8+$0xD830] =	vst.add.f32.msk $0xffff, v38  }
0x301: {  	[tilespmem:s8+$0xD840] =	vst.add.f32.msk $0xffff, v39  }
0x302: {  	[tilespmem:s8+$0xD850] =	vst.add.f32.msk $0xffff, v40  }
0x303: {  	[tilespmem:s8+$0xD860] =	vst.add.f32.msk $0xffff, v41  }
0x304: {  	[tilespmem:s8+$0xD870] =	vst.add.f32.msk $0xffff, v42  }
0x305: {  	[tilespmem:s8+$0xDC00] =	vst.add.f32.msk $0xffff, v43  }
0x306: {  	[tilespmem:s8+$0xDC10] =	vst.add.f32.msk $0xffff, v44  }
0x307: {  	[tilespmem:s8+$0xDC20] =	vst.add.f32.msk $0xffff, v45  }
0x308: {  	p0 =	seq.s32 s3, $0xF;
	[tilespmem:s8+$0xDC30] =	vst.add.f32.msk $0xffff, v46  }
.Ltmp4:
0x309: {  	[tilespmem:s8+$0xDC40] =	vst.add.f32.msk $0xffff, v47;
	(pc) =	sbr.rel @p0 .LBB2_8-.Ltmp4, $4  }
0x30a: {  	[tilespmem:s8+$0xDC50] =	vst.add.f32.msk $0xffff, v48  }
0x30b: {  	[tilespmem:s8+$0xDC60] =	vst.add.f32.msk $0xffff, v49  }
0x30c: {  	s7 =	sadd.s32 s14, s7;
	[tilespmem:s8+$0xC840] =	vst.add.f32.msk $0xffff, v3  }
0x30d: {  	[hbm4b:s7+s4] =	stream.linear.scatter [tilespmem:s21], [sflag:$0x6], $0x6000, $0x38;
	[tilespmem:$0x18800] =	vst v63  }
0x30e: {  	_ =	swait.ge [sflag:s31], $0x6000  }
0x30f: {  	[sflag:s31] =	ssyncset.done $0x0  }
0x310: {  	[sflag:s31] =	ssyncadd.s32 $0xFFFFA000  }
0x311: {  	v3 =	vld [tilespmem:s16+$0x40];
	_ =	sdelay $0x4  }
0x312: {  	v4 =	vshrl.u32 v3, $0x3  }
0x313: {  	v4 =	vmul.u32 $0x30, v4  }
0x314: {  	v3 =	vand.u32 $0x7, v3  }
0x315: {  	v3 =	vor.u32 v3, v4  }
0x316: {  	v4 =	vperm.xlane v3, v0;
	_ =	sdelay $0x1  }
0x317: {  	v4 =	vadd.s32 v1, v4;
	_ =	sdelay $0x3  }
0x318: {  	v3 =	vperm.xlane v3, v2  }
0x319: {  	[tilespmem:s17], [sflag:$0x1] =	stream.indirect_vreg.gather [hbm4b:s1+s4], $0x80, v4, vm0, $0xb8;
	[tilespmem:$0x18800] =	vst v63  }
0x31a: {  	s7 =	simm.s32 $0x1000;
	v3 =	vadd.s32 v1, v3  }
0x31b: {  	[tilespmem:s7], [sflag:$0x1] =	stream.indirect_vreg.gather [hbm4b:s9+s4], $0x80, v4, vm0, $0xb8;
	[tilespmem:$0x18800] =	vst v63  }
0x31c: {  	s8 =	simm.s32 $0x1800  }
0x31d: {  	[tilespmem:s8], [sflag:$0x1] =	stream.indirect_vreg.gather [hbm4b:s10+s4], $0x80, v4, vm0, $0xb8;
	[tilespmem:$0x18800] =	vst v63  }
0x31e: {  	s13 =	simm.s32 $0x2000  }
0x31f: {  	[tilespmem:s13], [sflag:$0x1] =	stream.indirect_vreg.gather [hbm4b:s1+s4], $0x80, v3, vm0, $0xb8;
	[tilespmem:$0x18800] =	vst v63  }
0x320: {  	s15 =	simm.s32 $0x2800  }
0x321: {  	[tilespmem:s15], [sflag:$0x1] =	stream.indirect_vreg.gather [hbm4b:s9+s4], $0x80, v3, vm0, $0xb8;
	[tilespmem:$0x18800] =	vst v63  }
0x322: {  	s18 =	simm.s32 $0x3000  }
0x323: {  	[tilespmem:s18], [sflag:$0x1] =	stream.indirect_vreg.gather [hbm4b:s10+s4], $0x80, v3, vm0, $0xb8;
	[tilespmem:$0x18800] =	vst v63  }
0x324: {  	v3 =	vld [tilespmem:s16+$0x50];
	_ =	sdelay $0x4  }
0x325: {  	v57 =	vshrl.u32 v3, $0x3  }
0x326: {  	v4 =	vmul.u32 $0x30, v57  }
0x327: {  	v3 =	vand.u32 $0x7, v3  }
0x328: {  	v3 =	vor.u32 v3, v4  }
0x329: {  	v4 =	vperm.xlane v3, v0;
	_ =	sdelay $0x1  }
0x32a: {  	v4 =	vadd.s32 v1, v4;
	_ =	sdelay $0x3  }
0x32b: {  	s19 =	simm.s32 $0x3800;
	v3 =	vperm.xlane v3, v2  }
0x32c: {  	[tilespmem:s19], [sflag:$0x1] =	stream.indirect_vreg.gather [hbm4b:s1+s4], $0x80, v4, vm0, $0xb8;
	[tilespmem:$0x18800] =	vst v63  }
0x32d: {  	s8 =	simm.s32 $0x4000;
	v3 =	vadd.s32 v1, v3  }
0x32e: {  	[tilespmem:s8], [sflag:$0x1] =	stream.indirect_vreg.gather [hbm4b:s9+s4], $0x80, v4, vm0, $0xb8;
	[tilespmem:$0x18800] =	vst v63  }
0x32f: {  	s13 =	simm.s32 $0x4800  }
0x330: {  	[tilespmem:s13], [sflag:$0x1] =	stream.indirect_vreg.gather [hbm4b:s10+s4], $0x80, v4, vm0, $0xb8;
	[tilespmem:$0x18800] =	vst v63  }
0x331: {  	s15 =	simm.s32 $0x5000  }
0x332: {  	[tilespmem:s15], [sflag:$0x1] =	stream.indirect_vreg.gather [hbm4b:s1+s4], $0x80, v3, vm0, $0xb8;
	[tilespmem:$0x18800] =	vst v63  }
0x333: {  	s18 =	simm.s32 $0x5800  }
0x334: {  	[tilespmem:s18], [sflag:$0x1] =	stream.indirect_vreg.gather [hbm4b:s9+s4], $0x80, v3, vm0, $0xb8;
	[tilespmem:$0x18800] =	vst v63  }
0x335: {  	s19 =	simm.s32 $0x6000  }
0x336: {  	[tilespmem:s19], [sflag:$0x1] =	stream.indirect_vreg.gather [hbm4b:s10+s4], $0x80, v3, vm0, $0xb8;
	[tilespmem:$0x18800] =	vst v63  }
0x337: {  	v3 =	vld [tilespmem:s16+$0x440];
	_ =	sdelay $0x4  }
0x338: {  	v58 =	vshrl.u32 v3, $0x3  }
0x339: {  	v4 =	vmul.u32 $0x30, v58  }
0x33a: {  	v3 =	vand.u32 $0x7, v3  }
0x33b: {  	v3 =	vor.u32 v3, v4  }
0x33c: {  	v4 =	vperm.xlane v3, v0;
	_ =	sdelay $0x1  }
0x33d: {  	v4 =	vadd.s32 v1, v4;
	_ =	sdelay $0x3  }
0x33e: {  	s8 =	simm.s32 $0x6800;
	v3 =	vperm.xlane v3, v2  }
0x33f: {  	[tilespmem:s8], [sflag:$0x2] =	stream.indirect_vreg.gather [hbm4b:s2+s4], $0x80, v4, vm0, $0xb8;
	[tilespmem:$0x18800] =	vst v63  }
0x340: {  	s13 =	simm.s32 $0x7000;
	v3 =	vadd.s32 v1, v3  }
0x341: {  	[tilespmem:s13], [sflag:$0x2] =	stream.indirect_vreg.gather [hbm4b:s11+s4], $0x80, v4, vm0, $0xb8;
	[tilespmem:$0x18800] =	vst v63  }
0x342: {  	s15 =	simm.s32 $0x7800  }
0x343: {  	[tilespmem:s15], [sflag:$0x2] =	stream.indirect_vreg.gather [hbm4b:s12+s4], $0x80, v4, vm0, $0xb8;
	[tilespmem:$0x18800] =	vst v63  }
0x344: {  	s18 =	simm.s32 $0x8000  }
0x345: {  	[tilespmem:s18], [sflag:$0x2] =	stream.indirect_vreg.gather [hbm4b:s2+s4], $0x80, v3, vm0, $0xb8;
	[tilespmem:$0x18800] =	vst v63  }
0x346: {  	s19 =	simm.s32 $0x8800  }
0x347: {  	[tilespmem:s19], [sflag:$0x2] =	stream.indirect_vreg.gather [hbm4b:s11+s4], $0x80, v3, vm0, $0xb8;
	[tilespmem:$0x18800] =	vst v63  }
0x348: {  	s8 =	simm.s32 $0x9000  }
0x349: {  	[tilespmem:s8], [sflag:$0x2] =	stream.indirect_vreg.gather [hbm4b:s12+s4], $0x80, v3, vm0, $0xb8;
	[tilespmem:$0x18800] =	vst v63  }
0x34a: {  	v3 =	vld [tilespmem:s16+$0x450];
	_ =	sdelay $0x4  }
0x34b: {  	v59 =	vshrl.u32 v3, $0x3  }
0x34c: {  	v4 =	vmul.u32 $0x30, v59  }
0x34d: {  	v3 =	vand.u32 $0x7, v3  }
0x34e: {  	v3 =	vor.u32 v3, v4  }
0x34f: {  	v4 =	vperm.xlane v3, v0;
	_ =	sdelay $0x1  }
0x350: {  	v4 =	vadd.s32 v1, v4;
	_ =	sdelay $0x3  }
0x351: {  	s13 =	simm.s32 $0x9800;
	v3 =	vperm.xlane v3, v2  }
0x352: {  	[tilespmem:s13], [sflag:$0x2] =	stream.indirect_vreg.gather [hbm4b:s2+s4], $0x80, v4, vm0, $0xb8;
	[tilespmem:$0x18800] =	vst v63  }
0x353: {  	s15 =	simm.s32 $0xA000;
	v3 =	vadd.s32 v1, v3  }
0x354: {  	[tilespmem:s15], [sflag:$0x2] =	stream.indirect_vreg.gather [hbm4b:s11+s4], $0x80, v4, vm0, $0xb8;
	[tilespmem:$0x18800] =	vst v63  }
0x355: {  	s18 =	simm.s32 $0xA800  }
0x356: {  	[tilespmem:s18], [sflag:$0x2] =	stream.indirect_vreg.gather [hbm4b:s12+s4], $0x80, v4, vm0, $0xb8;
	[tilespmem:$0x18800] =	vst v63  }
0x357: {  	s19 =	simm.s32 $0xB000  }
0x358: {  	[tilespmem:s19], [sflag:$0x2] =	stream.indirect_vreg.gather [hbm4b:s2+s4], $0x80, v3, vm0, $0xb8;
	[tilespmem:$0x18800] =	vst v63  }
0x359: {  	s8 =	simm.s32 $0xB800  }
0x35a: {  	[tilespmem:s8], [sflag:$0x2] =	stream.indirect_vreg.gather [hbm4b:s11+s4], $0x80, v3, vm0, $0xb8;
	[tilespmem:$0x18800] =	vst v63  }
0x35b: {  	s13 =	simm.s32 $0xC000  }
0x35c: {  	[tilespmem:s13], [sflag:$0x2] =	stream.indirect_vreg.gather [hbm4b:s12+s4], $0x80, v3, vm0, $0xb8;
	[tilespmem:$0x18800] =	vst v63  }
0x35d: {  	_ =	swait.ge [sflag:s0], $0x6000  }
0x35e: {  	[sflag:s0] =	ssyncset.done $0x0  }
0x35f: {  	[sflag:s0] =	ssyncadd.s32 $0xFFFFA000  }
0x360: {  	v3 =	vld [tilespmem:s16+$0x60];
	_ =	sdelay $0x4  }
0x361: {  	v60 =	vshrl.u32 v3, $0x3  }
0x362: {  	v4 =	vmul.u32 $0x30, v60  }
0x363: {  	v3 =	vand.u32 $0x7, v3  }
0x364: {  	v3 =	vor.u32 v3, v4  }
0x365: {  	v4 =	vperm.xlane v3, v0;
	_ =	sdelay $0x1  }
0x366: {  	v4 =	vadd.s32 v1, v4;
	_ =	sdelay $0x3  }
0x367: {  	v3 =	vperm.xlane v3, v2  }
0x368: {  	[tilespmem:s21], [sflag:$0x4] =	stream.indirect_vreg.gather [hbm4b:s1+s4], $0x80, v4, vm0, $0xb8;
	[tilespmem:$0x18800] =	vst v63  }
0x369: {  	s15 =	simm.s32 $0xD000;
	v3 =	vadd.s32 v1, v3  }
0x36a: {  	[tilespmem:s15], [sflag:$0x4] =	stream.indirect_vreg.gather [hbm4b:s9+s4], $0x80, v4, vm0, $0xb8;
	[tilespmem:$0x18800] =	vst v63  }
0x36b: {  	s18 =	simm.s32 $0xD800  }
0x36c: {  	[tilespmem:s18], [sflag:$0x4] =	stream.indirect_vreg.gather [hbm4b:s10+s4], $0x80, v4, vm0, $0xb8;
	[tilespmem:$0x18800] =	vst v63  }
0x36d: {  	s19 =	simm.s32 $0xE000  }
0x36e: {  	[tilespmem:s19], [sflag:$0x4] =	stream.indirect_vreg.gather [hbm4b:s1+s4], $0x80, v3, vm0, $0xb8;
	[tilespmem:$0x18800] =	vst v63  }
0x36f: {  	s8 =	simm.s32 $0xE800  }
0x370: {  	[tilespmem:s8], [sflag:$0x4] =	stream.indirect_vreg.gather [hbm4b:s9+s4], $0x80, v3, vm0, $0xb8;
	[tilespmem:$0x18800] =	vst v63  }
0x371: {  	s13 =	simm.s32 $0xF000  }
0x372: {  	[tilespmem:s13], [sflag:$0x4] =	stream.indirect_vreg.gather [hbm4b:s10+s4], $0x80, v3, vm0, $0xb8;
	[tilespmem:$0x18800] =	vst v63  }
0x373: {  	v3 =	vld [tilespmem:s16+$0x70];
	_ =	sdelay $0x4  }
0x374: {  	v61 =	vshrl.u32 v3, $0x3  }
0x375: {  	v4 =	vmul.u32 $0x30, v61  }
0x376: {  	v3 =	vand.u32 $0x7, v3  }
0x377: {  	v3 =	vor.u32 v3, v4  }
0x378: {  	v4 =	vperm.xlane v3, v0;
	_ =	sdelay $0x1  }
0x379: {  	v4 =	vadd.s32 v1, v4;
	_ =	sdelay $0x3  }
0x37a: {  	s15 =	simm.s32 $0xF800;
	v3 =	vperm.xlane v3, v2  }
0x37b: {  	[tilespmem:s15], [sflag:$0x4] =	stream.indirect_vreg.gather [hbm4b:s1+s4], $0x80, v4, vm0, $0xb8;
	[tilespmem:$0x18800] =	vst v63  }
0x37c: {  	s18 =	simm.s32 $0x10000;
	v3 =	vadd.s32 v1, v3  }
0x37d: {  	[tilespmem:s18], [sflag:$0x4] =	stream.indirect_vreg.gather [hbm4b:s9+s4], $0x80, v4, vm0, $0xb8;
	[tilespmem:$0x18800] =	vst v63  }
0x37e: {  	s19 =	simm.s32 $0x10800  }
0x37f: {  	[tilespmem:s19], [sflag:$0x4] =	stream.indirect_vreg.gather [hbm4b:s10+s4], $0x80, v4, vm0, $0xb8;
	[tilespmem:$0x18800] =	vst v63  }
0x380: {  	s8 =	simm.s32 $0x11000  }
0x381: {  	[tilespmem:s8], [sflag:$0x4] =	stream.indirect_vreg.gather [hbm4b:s1+s4], $0x80, v3, vm0, $0xb8;
	[tilespmem:$0x18800] =	vst v63  }
0x382: {  	s13 =	simm.s32 $0x11800  }
0x383: {  	[tilespmem:s13], [sflag:$0x4] =	stream.indirect_vreg.gather [hbm4b:s9+s4], $0x80, v3, vm0, $0xb8;
	[tilespmem:$0x18800] =	vst v63  }
0x384: {  	s15 =	simm.s32 $0x12000  }
0x385: {  	[tilespmem:s15], [sflag:$0x4] =	stream.indirect_vreg.gather [hbm4b:s10+s4], $0x80, v3, vm0, $0xb8;
	[tilespmem:$0x18800] =	vst v63  }
0x386: {  	v3 =	vld [tilespmem:s16+$0x460];
	_ =	sdelay $0x4  }
0x387: {  	v62 =	vshrl.u32 v3, $0x3  }
0x388: {  	v4 =	vmul.u32 $0x30, v62  }
0x389: {  	v3 =	vand.u32 $0x7, v3  }
0x38a: {  	v3 =	vor.u32 v3, v4  }
0x38b: {  	v4 =	vperm.xlane v3, v0;
	_ =	sdelay $0x1  }
0x38c: {  	v4 =	vadd.s32 v1, v4;
	_ =	sdelay $0x3  }
0x38d: {  	s18 =	simm.s32 $0x12800;
	v3 =	vperm.xlane v3, v2  }
0x38e: {  	[tilespmem:s18], [sflag:$0x5] =	stream.indirect_vreg.gather [hbm4b:s2+s4], $0x80, v4, vm0, $0xb8;
	[tilespmem:$0x18800] =	vst v63  }
0x38f: {  	s19 =	simm.s32 $0x13000;
	v3 =	vadd.s32 v1, v3  }
0x390: {  	[tilespmem:s19], [sflag:$0x5] =	stream.indirect_vreg.gather [hbm4b:s11+s4], $0x80, v4, vm0, $0xb8;
	[tilespmem:$0x18800] =	vst v63  }
0x391: {  	s8 =	simm.s32 $0x13800  }
0x392: {  	[tilespmem:s8], [sflag:$0x5] =	stream.indirect_vreg.gather [hbm4b:s12+s4], $0x80, v4, vm0, $0xb8;
	[tilespmem:$0x18800] =	vst v63  }
0x393: {  	s13 =	simm.s32 $0x14000  }
0x394: {  	[tilespmem:s13], [sflag:$0x5] =	stream.indirect_vreg.gather [hbm4b:s2+s4], $0x80, v3, vm0, $0xb8;
	[tilespmem:$0x18800] =	vst v63  }
0x395: {  	s15 =	simm.s32 $0x14800  }
0x396: {  	[tilespmem:s15], [sflag:$0x5] =	stream.indirect_vreg.gather [hbm4b:s11+s4], $0x80, v3, vm0, $0xb8;
	[tilespmem:$0x18800] =	vst v63  }
0x397: {  	s18 =	simm.s32 $0x15000  }
0x398: {  	[tilespmem:s18], [sflag:$0x5] =	stream.indirect_vreg.gather [hbm4b:s12+s4], $0x80, v3, vm0, $0xb8;
	[tilespmem:$0x18800] =	vst v63  }
0x399: {  	v3 =	vld [tilespmem:s16+$0x470];
	_ =	sdelay $0x4  }
0x39a: {  	v63 =	vshrl.u32 v3, $0x3  }
0x39b: {  	v4 =	vmul.u32 $0x30, v63  }
0x39c: {  	v3 =	vand.u32 $0x7, v3  }
0x39d: {  	v3 =	vor.u32 v3, v4  }
0x39e: {  	v4 =	vperm.xlane v3, v0;
	_ =	sdelay $0x1  }
0x39f: {  	v4 =	vadd.s32 v1, v4;
	_ =	sdelay $0x3  }
0x3a0: {  	s19 =	simm.s32 $0x15800;
	v3 =	vperm.xlane v3, v2  }
0x3a1: {  	[tilespmem:s19], [sflag:$0x5] =	stream.indirect_vreg.gather [hbm4b:s2+s4], $0x80, v4, vm0, $0xb8;
	[tilespmem:$0x18800] =	vst v63  }
0x3a2: {  	v3 =	vadd.s32 v1, v3  }
0x3a3: {  	[tilespmem:s20], [sflag:$0x5] =	stream.indirect_vreg.gather [hbm4b:s11+s4], $0x80, v4, vm0, $0xb8;
	[tilespmem:$0x18800] =	vst v63  }
0x3a4: {  	_ = 	snop  }
0x3a5: {  	[tilespmem:s22], [sflag:$0x5] =	stream.indirect_vreg.gather [hbm4b:s12+s4], $0x80, v4, vm0, $0xb8;
	[tilespmem:$0x18800] =	vst v63  }
0x3a6: {  	_ = 	snop  }
0x3a7: {  	[tilespmem:s23], [sflag:$0x5] =	stream.indirect_vreg.gather [hbm4b:s2+s4], $0x80, v3, vm0, $0xb8;
	[tilespmem:$0x18800] =	vst v63  }
.Ltmp5:
0x3a8: {  	_ = 	snop;
	(pc) =	sbr.rel .LBB2_2-.Ltmp5, $4  }
0x3a9: {  	_ = 	snop  }
0x3aa: {  	[tilespmem:s24], [sflag:$0x5] =	stream.indirect_vreg.gather [hbm4b:s11+s4], $0x80, v3, vm0, $0xb8;
	[tilespmem:$0x18800] =	vst v63  }
0x3ab: {  	s3 =	sadd.s32 $0x1, s3  }
0x3ac: {  	[tilespmem:s25], [sflag:$0x5] =	stream.indirect_vreg.gather [hbm4b:s12+s4], $0x80, v3, vm0, $0xb8;
	[tilespmem:$0x18800] =	vst v63  }
.LBB2_9:
0x3ad: {  	_ =	sfence.sel $0x180000  }
0x3ae: {  	[bflag:$0x0] =	sbarrier.arrive $0xFFFF  }
0x3af: {  	_ =	strace $0x90000047  }
0x3b0: {  	s0 =	stileid.u32;
	[bflag:$0x2] =	sbarrier.arrive $0xFFFF  }
0x3b1: {  	p0 =	sne.s32 s0, $0x0;
	s0 =	rddreg [dreg:$0x4]  }
0x3b2: {  	s0 =	sadd.s32 @!p0 $0x100000, s0  }
0x3b3: {  	[sflag:s0] =	ssyncadd.tile.s32 @!p0 $0x1;
	_ =	shalt  }
.Lfunc_end2:
_tile_overlayer_lowered:
.L_overlay_start_2:
0x3b4: {  	(tag) =	ssettag $0x2  }
0x3b5: {  	s0 =	rddreg [dreg:$0x0];
	s2 =	stileid.u32  }
0x3b6: {  	s1 =	rddreg [dreg:$0x1];
	p0 =	sne.s32 s2, $0x0  }
0x3b7: {  	s3 =	rddreg [dreg:$0x2];
	[bflag:$0x3] =	sbarrier.arrive $0xFFFF;
	s2 =	simm.s32 @!p0 $0x1C07  }
0x3b8: {  	[timem:s3], [sflag:s2] =	dma.local @!p0 [hbm:s0], s1  }
0x3b9: {  	s0 =	simm.s32 @!p0 $0x7  }
0x3ba: {  	_ =	swait.ge @!p0 [sflag:s0], s1  }
0x3bb: {  	s1 =	ssub.s32 @!p0 $0x0, s1;
	[sflag:s0] =	ssyncset.done @!p0 $0x0  }
0x3bc: {  	[sflag:s0] =	ssyncadd.s32 @!p0 s1  }
0x3bd: {  	[bflag:$0x3] =	sbarrier.arrive $0xFFFF  }
0x3be: {  	_ =	shalt  }

</sc_bundles>
